<compile_context>
chip_gen: v7x
topology: tpu7x:2x2x1
jax: 0.10.2.dev20260603
libtpu: 0.0.44.dev20260713+nightly
codegen_flags: <defaults>
</compile_context>

<pallas_src>
import functools

import jax
import jax.numpy as jnp
from jax import lax
from jax.experimental import pallas as pl
from jax.experimental.pallas import tpu as pltpu
from jax.experimental.pallas import tpu_sc as plsc

N = 10000
E = 320000
D = 128
DH = D // 2

NC = 2
NS = 16
NW = NC * NS
L = 16

NPAD = 10240
RPT = NPAD // NS
K = 128
DEGW = 16

EPT1 = E // NW
CH1 = 80
EPAD1 = CH1 * K

EPT2 = E // NS
KE = 128
CH2 = 157
EPAD2 = CH2 * KE

GRP = 6
NGRP = CH2 // GRP

_MESH = plsc.VectorSubcoreMesh(core_axis_name="c", subcore_axis_name="s",
                               num_cores=NC, num_subcores=NS)
_SC_PARAMS = pltpu.CompilerParams(use_tc_tiling_on_sc=False)


def _deg_body(dst_hbm, zdeg_hbm, out_hbm, idx_v, ones_v, acc_sh, dsem):
    c = lax.axis_index("c")
    s = lax.axis_index("s")
    w = c * NS + s
    pltpu.sync_copy(dst_hbm.at[w], idx_v)
    pltpu.sync_copy(zdeg_hbm.at[pl.ds(s * RPT, RPT)],
                    acc_sh.at[pl.ds(s * RPT, RPT)])
    one = jnp.full((L,), 1.0, dtype=jnp.float32)

    def fill(i, carry):
        ones_v[i, :] = one
        return carry

    lax.fori_loop(0, K, fill, 0)
    plsc.subcore_barrier()

    def dchunk(g, carry):
        base = g * 8
        for j in range(8):
            pltpu.async_copy(ones_v, acc_sh.at[idx_v.at[base + j]], dsem,
                             add=True)
        for j in range(8):
            pltpu.make_async_copy(ones_v, acc_sh.at[idx_v.at[base + j]],
                                  dsem).wait()
        return carry

    lax.fori_loop(0, CH1 // 8, dchunk, 0)
    plsc.subcore_barrier()
    pltpu.sync_copy(acc_sh.at[pl.ds(s * RPT, RPT)],
                    out_hbm.at[c, pl.ds(s * RPT, RPT)])


_deg_kernel = functools.partial(
    pl.kernel,
    out_type=jax.ShapeDtypeStruct((NC, NPAD, DEGW), jnp.float32),
    mesh=_MESH,
    scratch_types=[
        pltpu.VMEM((CH1, K), jnp.int32),
        pltpu.VMEM((K, DEGW), jnp.float32),
        pltpu.VMEM_SHARED((NPAD, DEGW), jnp.float32),
        pltpu.SemaphoreType.DMA,
    ],
    compiler_params=_SC_PARAMS,
)(_deg_body)


def _edge_body(src_hbm, dst_hbm, y2_hbm, zy_hbm, out_hbm,
               srcv, dstv, bufs, acc_sh, gsem, ssem):
    c = lax.axis_index("c")
    s = lax.axis_index("s")
    pltpu.sync_copy(src_hbm.at[s], srcv)
    pltpu.sync_copy(dst_hbm.at[s], dstv)
    pltpu.sync_copy(zy_hbm.at[pl.ds(s * RPT, RPT)],
                    acc_sh.at[pl.ds(s * RPT, RPT)])
    plsc.subcore_barrier()
    ytab = y2_hbm.at[c]

    def gather(jc, slot):
        return pltpu.make_async_copy(ytab.at[srcv.at[jc]], bufs.at[slot],
                                     gsem.at[slot])

    def scatter(jc, slot):
        return pltpu.make_async_copy(bufs.at[slot], acc_sh.at[dstv.at[jc]],
                                     ssem.at[slot])

    for j in range(GRP):
        gather(j, j).start()

    def group(g, carry):
        base = g * GRP
        for b in (0, 1, 2):
            gather(base + b, b).wait()
            scatter(base + b, b).start(add=True)
        for b in (3, 4, 5):
            gather(base + b, b).wait()
            scatter(base + b, b).start(add=True)
        for b in (0, 1, 2):
            scatter(base + b, b).wait()

            @pl.when(base + GRP + b < NGRP * GRP)
            def _(b=b):
                gather(base + GRP + b, b).start()
        for b in (3, 4, 5):
            scatter(base + b, b).wait()

            @pl.when(base + GRP + b < NGRP * GRP)
            def _(b=b):
                gather(base + GRP + b, b).start()
        return carry

    lax.fori_loop(0, NGRP, group, 0)
    for jc in range(NGRP * GRP, CH2):
        gather(jc, 0).start()
        gather(jc, 0).wait()
        scatter(jc, 0).start(add=True)
        scatter(jc, 0).wait()
    plsc.subcore_barrier()
    pltpu.sync_copy(acc_sh.at[pl.ds(s * RPT, RPT)],
                    out_hbm.at[c, pl.ds(s * RPT, RPT)])


_edge_kernel = functools.partial(
    pl.kernel,
    out_type=jax.ShapeDtypeStruct((NC, NPAD, DH), jnp.float32),
    mesh=_MESH,
    scratch_types=[
        pltpu.VMEM((CH2, KE), jnp.int32),
        pltpu.VMEM((CH2, KE), jnp.int32),
        pltpu.VMEM((GRP, KE, DH), jnp.float32),
        pltpu.VMEM_SHARED((NPAD, DH), jnp.float32),
        pltpu.SemaphoreType.DMA((GRP,)),
        pltpu.SemaphoreType.DMA((GRP,)),
    ],
    compiler_params=_SC_PARAMS,
)(_edge_body)


BR2 = 2000


def _mm_body(x_ref, w_ref, dg_ref, y_ref):
    deg = dg_ref[0, :, 0:1] + dg_ref[1, :, 0:1] + 1.0
    dinv = lax.rsqrt(deg)
    xw = jnp.dot(x_ref[...], w_ref[...], preferred_element_type=jnp.float32)
    y_ref[...] = xw * dinv


def _mm_kernel(x, w, dega):
    return pl.pallas_call(
        _mm_body,
        grid=(N // BR2,),
        in_specs=[
            pl.BlockSpec((BR2, D), lambda i: (i, 0)),
            pl.BlockSpec((D, D), lambda i: (0, 0)),
            pl.BlockSpec((NC, BR2, DEGW), lambda i: (0, i, 0)),
        ],
        out_specs=pl.BlockSpec((BR2, D), lambda i: (i, 0)),
        out_shape=jax.ShapeDtypeStruct((N, D), jnp.float32),
    )(x, w, dega)


BR4 = 1000


def _ep_body(acc_ref, y_ref, dg_ref, b_ref, o_ref):
    deg = dg_ref[0, :, 0:1] + dg_ref[1, :, 0:1] + 1.0
    dinv = lax.rsqrt(deg)
    h = jnp.concatenate([acc_ref[0], acc_ref[1]], axis=1) + y_ref[...]
    o_ref[...] = h * dinv + b_ref[...]


def _ep_kernel(acc, y, dega, b2):
    return pl.pallas_call(
        _ep_body,
        grid=(N // BR4,),
        in_specs=[
            pl.BlockSpec((NC, BR4, DH), lambda i: (0, i, 0)),
            pl.BlockSpec((BR4, D), lambda i: (i, 0)),
            pl.BlockSpec((NC, BR4, DEGW), lambda i: (0, i, 0)),
            pl.BlockSpec((1, D), lambda i: (0, 0)),
        ],
        out_specs=pl.BlockSpec((BR4, D), lambda i: (i, 0)),
        out_shape=jax.ShapeDtypeStruct((N, D), jnp.float32),
    )(acc, y, dega, b2)


def kernel(x, edge_index, W, b):
    src = edge_index[0]
    dst = edge_index[1]
    pad1 = N + jnp.arange(EPAD1 - EPT1, dtype=jnp.int32) % (NPAD - N)
    pad2 = N + jnp.arange(EPAD2 - EPT2, dtype=jnp.int32) % (NPAD - N)
    dst_t1 = jnp.concatenate(
        [dst.reshape(NW, EPT1),
         jnp.broadcast_to(pad1, (NW, EPAD1 - EPT1))],
        axis=1).reshape(NW, CH1, K)
    src_t2 = jnp.pad(src.reshape(NS, EPT2), ((0, 0), (0, EPAD2 - EPT2)),
                     constant_values=0).reshape(NS, CH2, KE)
    dst_t2 = jnp.concatenate(
        [dst.reshape(NS, EPT2),
         jnp.broadcast_to(pad2, (NS, EPAD2 - EPT2))],
        axis=1).reshape(NS, CH2, KE)
    zeros_deg = jnp.zeros((NPAD, DEGW), jnp.float32)
    zeros_y = jnp.zeros((NPAD, DH), jnp.float32)

    dega = _deg_kernel(dst_t1, zeros_deg)
    y = _mm_kernel(x, W, dega)
    y2 = jnp.stack([y[:, :DH], y[:, DH:]])
    acc = _edge_kernel(src_t2, dst_t2, y2, zeros_y)
    return _ep_kernel(acc, y, dega, b.reshape(1, D))

# --- scband reference (transcript-rebuilt; emitter-appended) ---
"""Pipeline reference for scband-linear-encoder-14199161880910 (READ-ONLY COPY).

The authoritative reference and input builder live on the scoring server;
editing this copy changes nothing except your own understanding.
"""

import jax, jax.numpy as jnp
import numpy as np

N = 10000
E = 320000
D_IN = 128
D_OUT = 128


def setup_inputs(seed: int = 0) -> dict:
    key = jax.random.key(seed)
    k1, k2, k3 = jax.random.split(key, 3)
    x = jax.random.normal(k1, (N, D_IN), dtype=jnp.float32)
    edge_index = jax.random.randint(k2, (2, E), 0, N, dtype=jnp.int32)
    # GCNConv linear weight (in_channels -> out_channels) and bias
    W = jax.random.normal(k3, (D_IN, D_OUT), dtype=jnp.float32) * (1.0 / np.sqrt(D_IN))
    b = jnp.zeros((D_OUT,), dtype=jnp.float32)
    return {"x": x, "edge_index": edge_index, "W": W, "b": b}


def reference(x, edge_index, W, b):
    # Faithful GCNConv: add self-loops, symmetric normalization D^{-1/2}(A+I)D^{-1/2},
    # then out = A_hat @ (x @ W) + b
    src = edge_index[0]
    dst = edge_index[1]
    loop = jnp.arange(N, dtype=src.dtype)
    src = jnp.concatenate([src, loop])
    dst = jnp.concatenate([dst, loop])
    # degree computed on destination nodes with unit edge weights
    deg = jnp.zeros((N,), dtype=x.dtype).at[dst].add(1.0)
    deg_inv_sqrt = jnp.where(deg > 0, 1.0 / jnp.sqrt(deg), 0.0)
    norm = deg_inv_sqrt[src] * deg_inv_sqrt[dst]
    xw = x @ W
    msgs = xw[src] * norm[:, None]
    out = jnp.zeros((N, D_OUT), dtype=x.dtype).at[dst].add(msgs)
    return out + b

if __name__ == "__main__":
    import jax
    _d = setup_inputs()
    print(jax.jit(kernel)(*tuple(_d.values())))

</pallas_src>

<mosaic_0001>
#map = affine_map<(d0, d1) -> (0, 0, 0)>
#map1 = affine_map<(d0, d1) -> (0, 0)>
module attributes {stable_mosaic.version = 14 : i64} {
  func.func @_edge_body(%arg0: i32, %arg1: i32, %arg2: memref<16x157x128xi32, #tpu.memory_space<hbm>>, %arg3: memref<16x157x128xi32, #tpu.memory_space<hbm>>, %arg4: memref<2x10000x64xf32, #tpu.memory_space<hbm>>, %arg5: memref<10240x64xf32, #tpu.memory_space<hbm>>, %arg6: memref<2x10240x64xf32, #tpu.memory_space<hbm>>, %arg7: memref<157x128xi32, #tpu.memory_space<vmem>>, %arg8: memref<157x128xi32, #tpu.memory_space<vmem>>, %arg9: memref<6x128x64xf32, #tpu.memory_space<vmem>>, %arg10: memref<10240x64xf32, #tpu.memory_space<vmem_shared>>, %arg11: memref<6x!tpu.dma_semaphore, #tpu.memory_space<semaphore_mem>>, %arg12: memref<6x!tpu.dma_semaphore, #tpu.memory_space<semaphore_mem>>) attributes {dimension_semantics = [#tpu.dimension_semantics<core_parallel>, #tpu.dimension_semantics<subcore_parallel>], iteration_bounds = array<i64: 2, 16>, scalar_prefetch = 0 : i64, scratch_operands = 6 : i64, tpu.core_type = #tpu.core_type<sc_vector_subcore>, window_params = [{transform_indices = #map}, {transform_indices = #map}, {transform_indices = #map}, {transform_indices = #map1}, {transform_indices = #map}]} {
    "tpu.region"() ({
      %run_scoped3A = tpu.sem_alloc : memref<!tpu.dma_semaphore, #tpu.memory_space<semaphore_mem>>
      %dma_start3A_193 = arith.constant 0 : i32
      %dma_start3A_194 = arith.constant 0 : i32
      %dma_start3A_195 = tpu.memref_slice %arg2[%arg1, %dma_start3A_193, %dma_start3A_194] : memref<16x157x128xi32, #tpu.memory_space<hbm>> -> memref<1x157x128xi32, #tpu.memory_space<hbm>>
      %dma_start3A_196 = tpu.memref_squeeze %dma_start3A_195 : memref<1x157x128xi32, #tpu.memory_space<hbm>> -> memref<157x128xi32, #tpu.memory_space<hbm>>
      %dma_start3A_197 = arith.constant 0 : i32
      %dma_start3A_198 = arith.constant 0 : i32
      %dma_start3A_199 = tpu.memref_slice %arg2[%arg1, %dma_start3A_197, %dma_start3A_198] : memref<16x157x128xi32, #tpu.memory_space<hbm>> -> memref<1x157x128xi32, #tpu.memory_space<hbm>>
      %dma_start3A_200 = tpu.memref_squeeze %dma_start3A_199 : memref<1x157x128xi32, #tpu.memory_space<hbm>> -> memref<157x128xi32, #tpu.memory_space<hbm>>
      tpu.enqueue_dma source(%dma_start3A_200 : memref<157x128xi32, #tpu.memory_space<hbm>>) target(%arg7 : memref<157x128xi32, #tpu.memory_space<vmem>>) target_semaphore(%run_scoped3A : memref<!tpu.dma_semaphore, #tpu.memory_space<semaphore_mem>>)
      %dma_wait3A_201 = arith.constant 0 : i32
      %dma_wait3A_202 = arith.constant 0 : i32
      %dma_wait3A_203 = tpu.memref_slice %arg2[%arg1, %dma_wait3A_201, %dma_wait3A_202] : memref<16x157x128xi32, #tpu.memory_space<hbm>> -> memref<1x157x128xi32, #tpu.memory_space<hbm>>
      %dma_wait3A_204 = tpu.memref_squeeze %dma_wait3A_203 : memref<1x157x128xi32, #tpu.memory_space<hbm>> -> memref<157x128xi32, #tpu.memory_space<hbm>>
      %dma_wait3A_205 = arith.constant 0 : i32
      %dma_wait3A_206 = arith.constant 0 : i32
      %dma_wait3A_207 = tpu.memref_slice %arg2[%arg1, %dma_wait3A_205, %dma_wait3A_206] : memref<16x157x128xi32, #tpu.memory_space<hbm>> -> memref<1x157x128xi32, #tpu.memory_space<hbm>>
      %dma_wait3A_208 = tpu.memref_squeeze %dma_wait3A_207 : memref<1x157x128xi32, #tpu.memory_space<hbm>> -> memref<157x128xi32, #tpu.memory_space<hbm>>
      tpu.wait_dma2 semaphore(%run_scoped3A : memref<!tpu.dma_semaphore, #tpu.memory_space<semaphore_mem>>) src(%dma_wait3A_208 : memref<157x128xi32, #tpu.memory_space<hbm>>) dst(%arg7 : memref<157x128xi32, #tpu.memory_space<vmem>>)
      tpu.yield
    }) : () -> ()
    "tpu.region"() ({
      %run_scoped3A = tpu.sem_alloc : memref<!tpu.dma_semaphore, #tpu.memory_space<semaphore_mem>>
      %dma_start3A_193 = arith.constant 0 : i32
      %dma_start3A_194 = arith.constant 0 : i32
      %dma_start3A_195 = tpu.memref_slice %arg3[%arg1, %dma_start3A_193, %dma_start3A_194] : memref<16x157x128xi32, #tpu.memory_space<hbm>> -> memref<1x157x128xi32, #tpu.memory_space<hbm>>
      %dma_start3A_196 = tpu.memref_squeeze %dma_start3A_195 : memref<1x157x128xi32, #tpu.memory_space<hbm>> -> memref<157x128xi32, #tpu.memory_space<hbm>>
      %dma_start3A_197 = arith.constant 0 : i32
      %dma_start3A_198 = arith.constant 0 : i32
      %dma_start3A_199 = tpu.memref_slice %arg3[%arg1, %dma_start3A_197, %dma_start3A_198] : memref<16x157x128xi32, #tpu.memory_space<hbm>> -> memref<1x157x128xi32, #tpu.memory_space<hbm>>
      %dma_start3A_200 = tpu.memref_squeeze %dma_start3A_199 : memref<1x157x128xi32, #tpu.memory_space<hbm>> -> memref<157x128xi32, #tpu.memory_space<hbm>>
      tpu.enqueue_dma source(%dma_start3A_200 : memref<157x128xi32, #tpu.memory_space<hbm>>) target(%arg8 : memref<157x128xi32, #tpu.memory_space<vmem>>) target_semaphore(%run_scoped3A : memref<!tpu.dma_semaphore, #tpu.memory_space<semaphore_mem>>)
      %dma_wait3A_201 = arith.constant 0 : i32
      %dma_wait3A_202 = arith.constant 0 : i32
      %dma_wait3A_203 = tpu.memref_slice %arg3[%arg1, %dma_wait3A_201, %dma_wait3A_202] : memref<16x157x128xi32, #tpu.memory_space<hbm>> -> memref<1x157x128xi32, #tpu.memory_space<hbm>>
      %dma_wait3A_204 = tpu.memref_squeeze %dma_wait3A_203 : memref<1x157x128xi32, #tpu.memory_space<hbm>> -> memref<157x128xi32, #tpu.memory_space<hbm>>
      %dma_wait3A_205 = arith.constant 0 : i32
      %dma_wait3A_206 = arith.constant 0 : i32
      %dma_wait3A_207 = tpu.memref_slice %arg3[%arg1, %dma_wait3A_205, %dma_wait3A_206] : memref<16x157x128xi32, #tpu.memory_space<hbm>> -> memref<1x157x128xi32, #tpu.memory_space<hbm>>
      %dma_wait3A_208 = tpu.memref_squeeze %dma_wait3A_207 : memref<1x157x128xi32, #tpu.memory_space<hbm>> -> memref<157x128xi32, #tpu.memory_space<hbm>>
      tpu.wait_dma2 semaphore(%run_scoped3A : memref<!tpu.dma_semaphore, #tpu.memory_space<semaphore_mem>>) src(%dma_wait3A_208 : memref<157x128xi32, #tpu.memory_space<hbm>>) dst(%arg8 : memref<157x128xi32, #tpu.memory_space<vmem>>)
      tpu.yield
    }) : () -> ()
    %mul3A = arith.constant 640 : i32
    %mul3A_0 = arith.muli %arg1, %mul3A : i32
    %mul3A_1 = arith.constant 640 : i32
    %mul3A_2 = arith.muli %arg1, %mul3A_1 : i32
    "tpu.region"() ({
      %run_scoped3A = tpu.sem_alloc : memref<!tpu.dma_semaphore, #tpu.memory_space<semaphore_mem>>
      %dma_start3A_193 = arith.constant 0 : i32
      %dma_start3A_194 = tpu.memref_slice %arg10[%mul3A_2, %dma_start3A_193] : memref<10240x64xf32, #tpu.memory_space<vmem_shared>> -> memref<640x64xf32, #tpu.memory_space<vmem_shared>>
      %dma_start3A_195 = arith.constant 0 : i32
      %dma_start3A_196 = tpu.memref_slice %arg5[%mul3A_0, %dma_start3A_195] : memref<10240x64xf32, #tpu.memory_space<hbm>> -> memref<640x64xf32, #tpu.memory_space<hbm>>
      tpu.enqueue_dma source(%dma_start3A_196 : memref<640x64xf32, #tpu.memory_space<hbm>>) target(%dma_start3A_194 : memref<640x64xf32, #tpu.memory_space<vmem_shared>>) target_semaphore(%run_scoped3A : memref<!tpu.dma_semaphore, #tpu.memory_space<semaphore_mem>>)
      %dma_wait3A_197 = arith.constant 0 : i32
      %dma_wait3A_198 = tpu.memref_slice %arg10[%mul3A_2, %dma_wait3A_197] : memref<10240x64xf32, #tpu.memory_space<vmem_shared>> -> memref<640x64xf32, #tpu.memory_space<vmem_shared>>
      %dma_wait3A_199 = arith.constant 0 : i32
      %dma_wait3A_200 = tpu.memref_slice %arg5[%mul3A_0, %dma_wait3A_199] : memref<10240x64xf32, #tpu.memory_space<hbm>> -> memref<640x64xf32, #tpu.memory_space<hbm>>
      tpu.wait_dma2 semaphore(%run_scoped3A : memref<!tpu.dma_semaphore, #tpu.memory_space<semaphore_mem>>) src(%dma_wait3A_200 : memref<640x64xf32, #tpu.memory_space<hbm>>) dst(%dma_wait3A_198 : memref<640x64xf32, #tpu.memory_space<vmem_shared>>)
      tpu.yield
    }) : () -> ()
    %barrier3A = arith.constant 0 : index
    tpu.barrier barrier_id(%barrier3A)
    %dma_start3A = arith.constant 0 : i32
    %dma_start3A_3 = arith.constant 0 : i32
    %dma_start3A_4 = arith.constant 0 : i32
    %dma_start3A_5 = arith.constant 0 : i32
    %dma_start3A_6 = arith.constant 0 : i32
    %dma_start3A_7 = tpu.memref_slice %arg9[%dma_start3A_3, %dma_start3A_5, %dma_start3A_6] : memref<6x128x64xf32, #tpu.memory_space<vmem>> -> memref<1x128x64xf32, #tpu.memory_space<vmem>>
    %dma_start3A_8 = tpu.memref_squeeze %dma_start3A_7 : memref<1x128x64xf32, #tpu.memory_space<vmem>> -> memref<128x64xf32, #tpu.memory_space<vmem>>
    %dma_start3A_9 = arith.constant 0 : i32
    %dma_start3A_10 = tpu.memref_slice %arg7[%dma_start3A, %dma_start3A_9] : memref<157x128xi32, #tpu.memory_space<vmem>> -> memref<1x128xi32, #tpu.memory_space<vmem>>
    %dma_start3A_11 = tpu.memref_squeeze %dma_start3A_10 : memref<1x128xi32, #tpu.memory_space<vmem>> -> memref<128xi32, #tpu.memory_space<vmem>>
    %dma_start3A_12 = arith.constant 0 : i32
    %dma_start3A_13 = arith.constant 0 : i32
    %dma_start3A_14 = tpu.memref_slice %arg4[%arg0, %dma_start3A_12, %dma_start3A_13] : memref<2x10000x64xf32, #tpu.memory_space<hbm>> -> memref<1x10000x64xf32, #tpu.memory_space<hbm>>
    %dma_start3A_15 = tpu.memref_squeeze %dma_start3A_14 : memref<1x10000x64xf32, #tpu.memory_space<hbm>> -> memref<10000x64xf32, #tpu.memory_space<hbm>>
    %dma_start3A_16 = arith.constant 0 : i32
    %dma_start3A_17 = arith.constant 0 : i32
    %dma_start3A_18 = tpu.memref_slice %dma_start3A_15[%dma_start3A_16, %dma_start3A_17] : memref<10000x64xf32, #tpu.memory_space<hbm>> -> memref<10000x64xf32, #tpu.memory_space<hbm>>
    %dma_start3A_19 = tpu.memref_slice %arg11[%dma_start3A_4] : memref<6x!tpu.dma_semaphore, #tpu.memory_space<semaphore_mem>> -> memref<1x!tpu.dma_semaphore, #tpu.memory_space<semaphore_mem>>
    %dma_start3A_20 = tpu.memref_squeeze %dma_start3A_19 : memref<1x!tpu.dma_semaphore, #tpu.memory_space<semaphore_mem>> -> memref<!tpu.dma_semaphore, #tpu.memory_space<semaphore_mem>>
    tpu.enqueue_indirect_dma source(%dma_start3A_18 : memref<10000x64xf32, #tpu.memory_space<hbm>>) target(%dma_start3A_8 : memref<128x64xf32, #tpu.memory_space<vmem>>) offsets(%dma_start3A_11 : memref<128xi32, #tpu.memory_space<vmem>>) semaphore(%dma_start3A_20 : memref<!tpu.dma_semaphore, #tpu.memory_space<semaphore_mem>>)
    %dma_start3A_21 = arith.constant 1 : i32
    %dma_start3A_22 = arith.constant 1 : i32
    %dma_start3A_23 = arith.constant 1 : i32
    %dma_start3A_24 = arith.constant 0 : i32
    %dma_start3A_25 = arith.constant 0 : i32
    %dma_start3A_26 = tpu.memref_slice %arg9[%dma_start3A_22, %dma_start3A_24, %dma_start3A_25] : memref<6x128x64xf32, #tpu.memory_space<vmem>> -> memref<1x128x64xf32, #tpu.memory_space<vmem>>
    %dma_start3A_27 = tpu.memref_squeeze %dma_start3A_26 : memref<1x128x64xf32, #tpu.memory_space<vmem>> -> memref<128x64xf32, #tpu.memory_space<vmem>>
    %dma_start3A_28 = arith.constant 0 : i32
    %dma_start3A_29 = tpu.memref_slice %arg7[%dma_start3A_21, %dma_start3A_28] : memref<157x128xi32, #tpu.memory_space<vmem>> -> memref<1x128xi32, #tpu.memory_space<vmem>>
    %dma_start3A_30 = tpu.memref_squeeze %dma_start3A_29 : memref<1x128xi32, #tpu.memory_space<vmem>> -> memref<128xi32, #tpu.memory_space<vmem>>
    %dma_start3A_31 = arith.constant 0 : i32
    %dma_start3A_32 = arith.constant 0 : i32
    %dma_start3A_33 = tpu.memref_slice %arg4[%arg0, %dma_start3A_31, %dma_start3A_32] : memref<2x10000x64xf32, #tpu.memory_space<hbm>> -> memref<1x10000x64xf32, #tpu.memory_space<hbm>>
    %dma_start3A_34 = tpu.memref_squeeze %dma_start3A_33 : memref<1x10000x64xf32, #tpu.memory_space<hbm>> -> memref<10000x64xf32, #tpu.memory_space<hbm>>
    %dma_start3A_35 = arith.constant 0 : i32
    %dma_start3A_36 = arith.constant 0 : i32
    %dma_start3A_37 = tpu.memref_slice %dma_start3A_34[%dma_start3A_35, %dma_start3A_36] : memref<10000x64xf32, #tpu.memory_space<hbm>> -> memref<10000x64xf32, #tpu.memory_space<hbm>>
    %dma_start3A_38 = tpu.memref_slice %arg11[%dma_start3A_23] : memref<6x!tpu.dma_semaphore, #tpu.memory_space<semaphore_mem>> -> memref<1x!tpu.dma_semaphore, #tpu.memory_space<semaphore_mem>>
    %dma_start3A_39 = tpu.memref_squeeze %dma_start3A_38 : memref<1x!tpu.dma_semaphore, #tpu.memory_space<semaphore_mem>> -> memref<!tpu.dma_semaphore, #tpu.memory_space<semaphore_mem>>
    tpu.enqueue_indirect_dma source(%dma_start3A_37 : memref<10000x64xf32, #tpu.memory_space<hbm>>) target(%dma_start3A_27 : memref<128x64xf32, #tpu.memory_space<vmem>>) offsets(%dma_start3A_30 : memref<128xi32, #tpu.memory_space<vmem>>) semaphore(%dma_start3A_39 : memref<!tpu.dma_semaphore, #tpu.memory_space<semaphore_mem>>)
    %dma_start3A_40 = arith.constant 2 : i32
    %dma_start3A_41 = arith.constant 2 : i32
    %dma_start3A_42 = arith.constant 2 : i32
    %dma_start3A_43 = arith.constant 0 : i32
    %dma_start3A_44 = arith.constant 0 : i32
    %dma_start3A_45 = tpu.memref_slice %arg9[%dma_start3A_41, %dma_start3A_43, %dma_start3A_44] : memref<6x128x64xf32, #tpu.memory_space<vmem>> -> memref<1x128x64xf32, #tpu.memory_space<vmem>>
    %dma_start3A_46 = tpu.memref_squeeze %dma_start3A_45 : memref<1x128x64xf32, #tpu.memory_space<vmem>> -> memref<128x64xf32, #tpu.memory_space<vmem>>
    %dma_start3A_47 = arith.constant 0 : i32
    %dma_start3A_48 = tpu.memref_slice %arg7[%dma_start3A_40, %dma_start3A_47] : memref<157x128xi32, #tpu.memory_space<vmem>> -> memref<1x128xi32, #tpu.memory_space<vmem>>
    %dma_start3A_49 = tpu.memref_squeeze %dma_start3A_48 : memref<1x128xi32, #tpu.memory_space<vmem>> -> memref<128xi32, #tpu.memory_space<vmem>>
    %dma_start3A_50 = arith.constant 0 : i32
    %dma_start3A_51 = arith.constant 0 : i32
    %dma_start3A_52 = tpu.memref_slice %arg4[%arg0, %dma_start3A_50, %dma_start3A_51] : memref<2x10000x64xf32, #tpu.memory_space<hbm>> -> memref<1x10000x64xf32, #tpu.memory_space<hbm>>
    %dma_start3A_53 = tpu.memref_squeeze %dma_start3A_52 : memref<1x10000x64xf32, #tpu.memory_space<hbm>> -> memref<10000x64xf32, #tpu.memory_space<hbm>>
    %dma_start3A_54 = arith.constant 0 : i32
    %dma_start3A_55 = arith.constant 0 : i32
    %dma_start3A_56 = tpu.memref_slice %dma_start3A_53[%dma_start3A_54, %dma_start3A_55] : memref<10000x64xf32, #tpu.memory_space<hbm>> -> memref<10000x64xf32, #tpu.memory_space<hbm>>
    %dma_start3A_57 = tpu.memref_slice %arg11[%dma_start3A_42] : memref<6x!tpu.dma_semaphore, #tpu.memory_space<semaphore_mem>> -> memref<1x!tpu.dma_semaphore, #tpu.memory_space<semaphore_mem>>
    %dma_start3A_58 = tpu.memref_squeeze %dma_start3A_57 : memref<1x!tpu.dma_semaphore, #tpu.memory_space<semaphore_mem>> -> memref<!tpu.dma_semaphore, #tpu.memory_space<semaphore_mem>>
    tpu.enqueue_indirect_dma source(%dma_start3A_56 : memref<10000x64xf32, #tpu.memory_space<hbm>>) target(%dma_start3A_46 : memref<128x64xf32, #tpu.memory_space<vmem>>) offsets(%dma_start3A_49 : memref<128xi32, #tpu.memory_space<vmem>>) semaphore(%dma_start3A_58 : memref<!tpu.dma_semaphore, #tpu.memory_space<semaphore_mem>>)
    %dma_start3A_59 = arith.constant 3 : i32
    %dma_start3A_60 = arith.constant 3 : i32
    %dma_start3A_61 = arith.constant 3 : i32
    %dma_start3A_62 = arith.constant 0 : i32
    %dma_start3A_63 = arith.constant 0 : i32
    %dma_start3A_64 = tpu.memref_slice %arg9[%dma_start3A_60, %dma_start3A_62, %dma_start3A_63] : memref<6x128x64xf32, #tpu.memory_space<vmem>> -> memref<1x128x64xf32, #tpu.memory_space<vmem>>
    %dma_start3A_65 = tpu.memref_squeeze %dma_start3A_64 : memref<1x128x64xf32, #tpu.memory_space<vmem>> -> memref<128x64xf32, #tpu.memory_space<vmem>>
    %dma_start3A_66 = arith.constant 0 : i32
    %dma_start3A_67 = tpu.memref_slice %arg7[%dma_start3A_59, %dma_start3A_66] : memref<157x128xi32, #tpu.memory_space<vmem>> -> memref<1x128xi32, #tpu.memory_space<vmem>>
    %dma_start3A_68 = tpu.memref_squeeze %dma_start3A_67 : memref<1x128xi32, #tpu.memory_space<vmem>> -> memref<128xi32, #tpu.memory_space<vmem>>
    %dma_start3A_69 = arith.constant 0 : i32
    %dma_start3A_70 = arith.constant 0 : i32
    %dma_start3A_71 = tpu.memref_slice %arg4[%arg0, %dma_start3A_69, %dma_start3A_70] : memref<2x10000x64xf32, #tpu.memory_space<hbm>> -> memref<1x10000x64xf32, #tpu.memory_space<hbm>>
    %dma_start3A_72 = tpu.memref_squeeze %dma_start3A_71 : memref<1x10000x64xf32, #tpu.memory_space<hbm>> -> memref<10000x64xf32, #tpu.memory_space<hbm>>
    %dma_start3A_73 = arith.constant 0 : i32
    %dma_start3A_74 = arith.constant 0 : i32
    %dma_start3A_75 = tpu.memref_slice %dma_start3A_72[%dma_start3A_73, %dma_start3A_74] : memref<10000x64xf32, #tpu.memory_space<hbm>> -> memref<10000x64xf32, #tpu.memory_space<hbm>>
    %dma_start3A_76 = tpu.memref_slice %arg11[%dma_start3A_61] : memref<6x!tpu.dma_semaphore, #tpu.memory_space<semaphore_mem>> -> memref<1x!tpu.dma_semaphore, #tpu.memory_space<semaphore_mem>>
    %dma_start3A_77 = tpu.memref_squeeze %dma_start3A_76 : memref<1x!tpu.dma_semaphore, #tpu.memory_space<semaphore_mem>> -> memref<!tpu.dma_semaphore, #tpu.memory_space<semaphore_mem>>
    tpu.enqueue_indirect_dma source(%dma_start3A_75 : memref<10000x64xf32, #tpu.memory_space<hbm>>) target(%dma_start3A_65 : memref<128x64xf32, #tpu.memory_space<vmem>>) offsets(%dma_start3A_68 : memref<128xi32, #tpu.memory_space<vmem>>) semaphore(%dma_start3A_77 : memref<!tpu.dma_semaphore, #tpu.memory_space<semaphore_mem>>)
    %dma_start3A_78 = arith.constant 4 : i32
    %dma_start3A_79 = arith.constant 4 : i32
    %dma_start3A_80 = arith.constant 4 : i32
    %dma_start3A_81 = arith.constant 0 : i32
    %dma_start3A_82 = arith.constant 0 : i32
    %dma_start3A_83 = tpu.memref_slice %arg9[%dma_start3A_79, %dma_start3A_81, %dma_start3A_82] : memref<6x128x64xf32, #tpu.memory_space<vmem>> -> memref<1x128x64xf32, #tpu.memory_space<vmem>>
    %dma_start3A_84 = tpu.memref_squeeze %dma_start3A_83 : memref<1x128x64xf32, #tpu.memory_space<vmem>> -> memref<128x64xf32, #tpu.memory_space<vmem>>
    %dma_start3A_85 = arith.constant 0 : i32
    %dma_start3A_86 = tpu.memref_slice %arg7[%dma_start3A_78, %dma_start3A_85] : memref<157x128xi32, #tpu.memory_space<vmem>> -> memref<1x128xi32, #tpu.memory_space<vmem>>
    %dma_start3A_87 = tpu.memref_squeeze %dma_start3A_86 : memref<1x128xi32, #tpu.memory_space<vmem>> -> memref<128xi32, #tpu.memory_space<vmem>>
    %dma_start3A_88 = arith.constant 0 : i32
    %dma_start3A_89 = arith.constant 0 : i32
    %dma_start3A_90 = tpu.memref_slice %arg4[%arg0, %dma_start3A_88, %dma_start3A_89] : memref<2x10000x64xf32, #tpu.memory_space<hbm>> -> memref<1x10000x64xf32, #tpu.memory_space<hbm>>
    %dma_start3A_91 = tpu.memref_squeeze %dma_start3A_90 : memref<1x10000x64xf32, #tpu.memory_space<hbm>> -> memref<10000x64xf32, #tpu.memory_space<hbm>>
    %dma_start3A_92 = arith.constant 0 : i32
    %dma_start3A_93 = arith.constant 0 : i32
    %dma_start3A_94 = tpu.memref_slice %dma_start3A_91[%dma_start3A_92, %dma_start3A_93] : memref<10000x64xf32, #tpu.memory_space<hbm>> -> memref<10000x64xf32, #tpu.memory_space<hbm>>
    %dma_start3A_95 = tpu.memref_slice %arg11[%dma_start3A_80] : memref<6x!tpu.dma_semaphore, #tpu.memory_space<semaphore_mem>> -> memref<1x!tpu.dma_semaphore, #tpu.memory_space<semaphore_mem>>
    %dma_start3A_96 = tpu.memref_squeeze %dma_start3A_95 : memref<1x!tpu.dma_semaphore, #tpu.memory_space<semaphore_mem>> -> memref<!tpu.dma_semaphore, #tpu.memory_space<semaphore_mem>>
    tpu.enqueue_indirect_dma source(%dma_start3A_94 : memref<10000x64xf32, #tpu.memory_space<hbm>>) target(%dma_start3A_84 : memref<128x64xf32, #tpu.memory_space<vmem>>) offsets(%dma_start3A_87 : memref<128xi32, #tpu.memory_space<vmem>>) semaphore(%dma_start3A_96 : memref<!tpu.dma_semaphore, #tpu.memory_space<semaphore_mem>>)
    %dma_start3A_97 = arith.constant 5 : i32
    %dma_start3A_98 = arith.constant 5 : i32
    %dma_start3A_99 = arith.constant 5 : i32
    %dma_start3A_100 = arith.constant 0 : i32
    %dma_start3A_101 = arith.constant 0 : i32
    %dma_start3A_102 = tpu.memref_slice %arg9[%dma_start3A_98, %dma_start3A_100, %dma_start3A_101] : memref<6x128x64xf32, #tpu.memory_space<vmem>> -> memref<1x128x64xf32, #tpu.memory_space<vmem>>
    %dma_start3A_103 = tpu.memref_squeeze %dma_start3A_102 : memref<1x128x64xf32, #tpu.memory_space<vmem>> -> memref<128x64xf32, #tpu.memory_space<vmem>>
    %dma_start3A_104 = arith.constant 0 : i32
    %dma_start3A_105 = tpu.memref_slice %arg7[%dma_start3A_97, %dma_start3A_104] : memref<157x128xi32, #tpu.memory_space<vmem>> -> memref<1x128xi32, #tpu.memory_space<vmem>>
    %dma_start3A_106 = tpu.memref_squeeze %dma_start3A_105 : memref<1x128xi32, #tpu.memory_space<vmem>> -> memref<128xi32, #tpu.memory_space<vmem>>
    %dma_start3A_107 = arith.constant 0 : i32
    %dma_start3A_108 = arith.constant 0 : i32
    %dma_start3A_109 = tpu.memref_slice %arg4[%arg0, %dma_start3A_107, %dma_start3A_108] : memref<2x10000x64xf32, #tpu.memory_space<hbm>> -> memref<1x10000x64xf32, #tpu.memory_space<hbm>>
    %dma_start3A_110 = tpu.memref_squeeze %dma_start3A_109 : memref<1x10000x64xf32, #tpu.memory_space<hbm>> -> memref<10000x64xf32, #tpu.memory_space<hbm>>
    %dma_start3A_111 = arith.constant 0 : i32
    %dma_start3A_112 = arith.constant 0 : i32
    %dma_start3A_113 = tpu.memref_slice %dma_start3A_110[%dma_start3A_111, %dma_start3A_112] : memref<10000x64xf32, #tpu.memory_space<hbm>> -> memref<10000x64xf32, #tpu.memory_space<hbm>>
    %dma_start3A_114 = tpu.memref_slice %arg11[%dma_start3A_99] : memref<6x!tpu.dma_semaphore, #tpu.memory_space<semaphore_mem>> -> memref<1x!tpu.dma_semaphore, #tpu.memory_space<semaphore_mem>>
    %dma_start3A_115 = tpu.memref_squeeze %dma_start3A_114 : memref<1x!tpu.dma_semaphore, #tpu.memory_space<semaphore_mem>> -> memref<!tpu.dma_semaphore, #tpu.memory_space<semaphore_mem>>
    tpu.enqueue_indirect_dma source(%dma_start3A_113 : memref<10000x64xf32, #tpu.memory_space<hbm>>) target(%dma_start3A_103 : memref<128x64xf32, #tpu.memory_space<vmem>>) offsets(%dma_start3A_106 : memref<128xi32, #tpu.memory_space<vmem>>) semaphore(%dma_start3A_115 : memref<!tpu.dma_semaphore, #tpu.memory_space<semaphore_mem>>)
    %scan3A = arith.constant 0 : i32
    %scan3A_116 = arith.constant 0 : i32
    %scan3A_117 = arith.constant 26 : i32
    %scan3A_118 = arith.addi %scan3A_116, %scan3A_117 : i32
    %scan3A_119 = arith.constant 1 : i32
    scf.for %scan3A_193 = %scan3A_116 to %scan3A_118 step %scan3A_119  : i32 {
      %mul3A_194 = arith.constant 6 : i32
      %mul3A_195 = arith.muli %scan3A_193, %mul3A_194 : i32
      %add3A = arith.constant 0 : i32
      %add3A_196 = arith.addi %mul3A_195, %add3A : i32
      %dma_wait3A_197 = arith.constant 0 : i32
      %dma_wait3A_198 = arith.constant 0 : i32
      %dma_wait3A_199 = arith.constant 0 : i32
      %dma_wait3A_200 = arith.constant 0 : i32
      %dma_wait3A_201 = tpu.memref_slice %arg9[%dma_wait3A_197, %dma_wait3A_199, %dma_wait3A_200] : memref<6x128x64xf32, #tpu.memory_space<vmem>> -> memref<1x128x64xf32, #tpu.memory_space<vmem>>
      %dma_wait3A_202 = tpu.memref_squeeze %dma_wait3A_201 : memref<1x128x64xf32, #tpu.memory_space<vmem>> -> memref<128x64xf32, #tpu.memory_space<vmem>>
      %dma_wait3A_203 = arith.constant 0 : i32
      %dma_wait3A_204 = tpu.memref_slice %arg7[%add3A_196, %dma_wait3A_203] : memref<157x128xi32, #tpu.memory_space<vmem>> -> memref<1x128xi32, #tpu.memory_space<vmem>>
      %dma_wait3A_205 = tpu.memref_squeeze %dma_wait3A_204 : memref<1x128xi32, #tpu.memory_space<vmem>> -> memref<128xi32, #tpu.memory_space<vmem>>
      %dma_wait3A_206 = arith.constant 0 : i32
      %dma_wait3A_207 = arith.constant 0 : i32
      %dma_wait3A_208 = tpu.memref_slice %arg4[%arg0, %dma_wait3A_206, %dma_wait3A_207] : memref<2x10000x64xf32, #tpu.memory_space<hbm>> -> memref<1x10000x64xf32, #tpu.memory_space<hbm>>
      %dma_wait3A_209 = tpu.memref_squeeze %dma_wait3A_208 : memref<1x10000x64xf32, #tpu.memory_space<hbm>> -> memref<10000x64xf32, #tpu.memory_space<hbm>>
      %dma_wait3A_210 = arith.constant 0 : i32
      %dma_wait3A_211 = arith.constant 0 : i32
      %dma_wait3A_212 = tpu.memref_slice %dma_wait3A_209[%dma_wait3A_210, %dma_wait3A_211] : memref<10000x64xf32, #tpu.memory_space<hbm>> -> memref<10000x64xf32, #tpu.memory_space<hbm>>
      %dma_wait3A_213 = tpu.memref_slice %arg11[%dma_wait3A_198] : memref<6x!tpu.dma_semaphore, #tpu.memory_space<semaphore_mem>> -> memref<1x!tpu.dma_semaphore, #tpu.memory_space<semaphore_mem>>
      %dma_wait3A_214 = tpu.memref_squeeze %dma_wait3A_213 : memref<1x!tpu.dma_semaphore, #tpu.memory_space<semaphore_mem>> -> memref<!tpu.dma_semaphore, #tpu.memory_space<semaphore_mem>>
      tpu.wait_indirect_dma semaphore(%dma_wait3A_214 : memref<!tpu.dma_semaphore, #tpu.memory_space<semaphore_mem>>) src(%dma_wait3A_212 : memref<10000x64xf32, #tpu.memory_space<hbm>>) dst(%dma_wait3A_202 : memref<128x64xf32, #tpu.memory_space<vmem>>)
      %add3A_215 = arith.constant 0 : i32
      %add3A_216 = arith.addi %mul3A_195, %add3A_215 : i32
      %dma_start3A_217 = arith.constant 0 : i32
      %dma_start3A_218 = arith.constant 0 : i32
      %dma_start3A_219 = arith.constant 0 : i32
      %dma_start3A_220 = arith.constant 0 : i32
      %dma_start3A_221 = tpu.memref_slice %arg9[%dma_start3A_217, %dma_start3A_219, %dma_start3A_220] : memref<6x128x64xf32, #tpu.memory_space<vmem>> -> memref<1x128x64xf32, #tpu.memory_space<vmem>>
      %dma_start3A_222 = tpu.memref_squeeze %dma_start3A_221 : memref<1x128x64xf32, #tpu.memory_space<vmem>> -> memref<128x64xf32, #tpu.memory_space<vmem>>
      %dma_start3A_223 = arith.constant 0 : i32
      %dma_start3A_224 = tpu.memref_slice %arg8[%add3A_216, %dma_start3A_223] : memref<157x128xi32, #tpu.memory_space<vmem>> -> memref<1x128xi32, #tpu.memory_space<vmem>>
      %dma_start3A_225 = tpu.memref_squeeze %dma_start3A_224 : memref<1x128xi32, #tpu.memory_space<vmem>> -> memref<128xi32, #tpu.memory_space<vmem>>
      %dma_start3A_226 = arith.constant 0 : i32
      %dma_start3A_227 = arith.constant 0 : i32
      %dma_start3A_228 = tpu.memref_slice %arg10[%dma_start3A_226, %dma_start3A_227] : memref<10240x64xf32, #tpu.memory_space<vmem_shared>> -> memref<10240x64xf32, #tpu.memory_space<vmem_shared>>
      %dma_start3A_229 = tpu.memref_slice %arg12[%dma_start3A_218] : memref<6x!tpu.dma_semaphore, #tpu.memory_space<semaphore_mem>> -> memref<1x!tpu.dma_semaphore, #tpu.memory_space<semaphore_mem>>
      %dma_start3A_230 = tpu.memref_squeeze %dma_start3A_229 : memref<1x!tpu.dma_semaphore, #tpu.memory_space<semaphore_mem>> -> memref<!tpu.dma_semaphore, #tpu.memory_space<semaphore_mem>>
      tpu.enqueue_indirect_dma source(%dma_start3A_222 : memref<128x64xf32, #tpu.memory_space<vmem>>) target(%dma_start3A_228 : memref<10240x64xf32, #tpu.memory_space<vmem_shared>>) offsets(%dma_start3A_225 : memref<128xi32, #tpu.memory_space<vmem>>) semaphore(%dma_start3A_230 : memref<!tpu.dma_semaphore, #tpu.memory_space<semaphore_mem>>) {add = true}
      %add3A_231 = arith.constant 1 : i32
      %add3A_232 = arith.addi %mul3A_195, %add3A_231 : i32
      %dma_wait3A_233 = arith.constant 1 : i32
      %dma_wait3A_234 = arith.constant 1 : i32
      %dma_wait3A_235 = arith.constant 0 : i32
      %dma_wait3A_236 = arith.constant 0 : i32
      %dma_wait3A_237 = tpu.memref_slice %arg9[%dma_wait3A_233, %dma_wait3A_235, %dma_wait3A_236] : memref<6x128x64xf32, #tpu.memory_space<vmem>> -> memref<1x128x64xf32, #tpu.memory_space<vmem>>
      %dma_wait3A_238 = tpu.memref_squeeze %dma_wait3A_237 : memref<1x128x64xf32, #tpu.memory_space<vmem>> -> memref<128x64xf32, #tpu.memory_space<vmem>>
      %dma_wait3A_239 = arith.constant 0 : i32
      %dma_wait3A_240 = tpu.memref_slice %arg7[%add3A_232, %dma_wait3A_239] : memref<157x128xi32, #tpu.memory_space<vmem>> -> memref<1x128xi32, #tpu.memory_space<vmem>>
      %dma_wait3A_241 = tpu.memref_squeeze %dma_wait3A_240 : memref<1x128xi32, #tpu.memory_space<vmem>> -> memref<128xi32, #tpu.memory_space<vmem>>
      %dma_wait3A_242 = arith.constant 0 : i32
      %dma_wait3A_243 = arith.constant 0 : i32
      %dma_wait3A_244 = tpu.memref_slice %arg4[%arg0, %dma_wait3A_242, %dma_wait3A_243] : memref<2x10000x64xf32, #tpu.memory_space<hbm>> -> memref<1x10000x64xf32, #tpu.memory_space<hbm>>
      %dma_wait3A_245 = tpu.memref_squeeze %dma_wait3A_244 : memref<1x10000x64xf32, #tpu.memory_space<hbm>> -> memref<10000x64xf32, #tpu.memory_space<hbm>>
      %dma_wait3A_246 = arith.constant 0 : i32
      %dma_wait3A_247 = arith.constant 0 : i32
      %dma_wait3A_248 = tpu.memref_slice %dma_wait3A_245[%dma_wait3A_246, %dma_wait3A_247] : memref<10000x64xf32, #tpu.memory_space<hbm>> -> memref<10000x64xf32, #tpu.memory_space<hbm>>
      %dma_wait3A_249 = tpu.memref_slice %arg11[%dma_wait3A_234] : memref<6x!tpu.dma_semaphore, #tpu.memory_space<semaphore_mem>> -> memref<1x!tpu.dma_semaphore, #tpu.memory_space<semaphore_mem>>
      %dma_wait3A_250 = tpu.memref_squeeze %dma_wait3A_249 : memref<1x!tpu.dma_semaphore, #tpu.memory_space<semaphore_mem>> -> memref<!tpu.dma_semaphore, #tpu.memory_space<semaphore_mem>>
      tpu.wait_indirect_dma semaphore(%dma_wait3A_250 : memref<!tpu.dma_semaphore, #tpu.memory_space<semaphore_mem>>) src(%dma_wait3A_248 : memref<10000x64xf32, #tpu.memory_space<hbm>>) dst(%dma_wait3A_238 : memref<128x64xf32, #tpu.memory_space<vmem>>)
      %add3A_251 = arith.constant 1 : i32
      %add3A_252 = arith.addi %mul3A_195, %add3A_251 : i32
      %dma_start3A_253 = arith.constant 1 : i32
      %dma_start3A_254 = arith.constant 1 : i32
      %dma_start3A_255 = arith.constant 0 : i32
      %dma_start3A_256 = arith.constant 0 : i32
      %dma_start3A_257 = tpu.memref_slice %arg9[%dma_start3A_253, %dma_start3A_255, %dma_start3A_256] : memref<6x128x64xf32, #tpu.memory_space<vmem>> -> memref<1x128x64xf32, #tpu.memory_space<vmem>>
      %dma_start3A_258 = tpu.memref_squeeze %dma_start3A_257 : memref<1x128x64xf32, #tpu.memory_space<vmem>> -> memref<128x64xf32, #tpu.memory_space<vmem>>
      %dma_start3A_259 = arith.constant 0 : i32
      %dma_start3A_260 = tpu.memref_slice %arg8[%add3A_252, %dma_start3A_259] : memref<157x128xi32, #tpu.memory_space<vmem>> -> memref<1x128xi32, #tpu.memory_space<vmem>>
      %dma_start3A_261 = tpu.memref_squeeze %dma_start3A_260 : memref<1x128xi32, #tpu.memory_space<vmem>> -> memref<128xi32, #tpu.memory_space<vmem>>
      %dma_start3A_262 = arith.constant 0 : i32
      %dma_start3A_263 = arith.constant 0 : i32
      %dma_start3A_264 = tpu.memref_slice %arg10[%dma_start3A_262, %dma_start3A_263] : memref<10240x64xf32, #tpu.memory_space<vmem_shared>> -> memref<10240x64xf32, #tpu.memory_space<vmem_shared>>
      %dma_start3A_265 = tpu.memref_slice %arg12[%dma_start3A_254] : memref<6x!tpu.dma_semaphore, #tpu.memory_space<semaphore_mem>> -> memref<1x!tpu.dma_semaphore, #tpu.memory_space<semaphore_mem>>
      %dma_start3A_266 = tpu.memref_squeeze %dma_start3A_265 : memref<1x!tpu.dma_semaphore, #tpu.memory_space<semaphore_mem>> -> memref<!tpu.dma_semaphore, #tpu.memory_space<semaphore_mem>>
      tpu.enqueue_indirect_dma source(%dma_start3A_258 : memref<128x64xf32, #tpu.memory_space<vmem>>) target(%dma_start3A_264 : memref<10240x64xf32, #tpu.memory_space<vmem_shared>>) offsets(%dma_start3A_261 : memref<128xi32, #tpu.memory_space<vmem>>) semaphore(%dma_start3A_266 : memref<!tpu.dma_semaphore, #tpu.memory_space<semaphore_mem>>) {add = true}
      %add3A_267 = arith.constant 2 : i32
      %add3A_268 = arith.addi %mul3A_195, %add3A_267 : i32
      %dma_wait3A_269 = arith.constant 2 : i32
      %dma_wait3A_270 = arith.constant 2 : i32
      %dma_wait3A_271 = arith.constant 0 : i32
      %dma_wait3A_272 = arith.constant 0 : i32
      %dma_wait3A_273 = tpu.memref_slice %arg9[%dma_wait3A_269, %dma_wait3A_271, %dma_wait3A_272] : memref<6x128x64xf32, #tpu.memory_space<vmem>> -> memref<1x128x64xf32, #tpu.memory_space<vmem>>
      %dma_wait3A_274 = tpu.memref_squeeze %dma_wait3A_273 : memref<1x128x64xf32, #tpu.memory_space<vmem>> -> memref<128x64xf32, #tpu.memory_space<vmem>>
      %dma_wait3A_275 = arith.constant 0 : i32
      %dma_wait3A_276 = tpu.memref_slice %arg7[%add3A_268, %dma_wait3A_275] : memref<157x128xi32, #tpu.memory_space<vmem>> -> memref<1x128xi32, #tpu.memory_space<vmem>>
      %dma_wait3A_277 = tpu.memref_squeeze %dma_wait3A_276 : memref<1x128xi32, #tpu.memory_space<vmem>> -> memref<128xi32, #tpu.memory_space<vmem>>
      %dma_wait3A_278 = arith.constant 0 : i32
      %dma_wait3A_279 = arith.constant 0 : i32
      %dma_wait3A_280 = tpu.memref_slice %arg4[%arg0, %dma_wait3A_278, %dma_wait3A_279] : memref<2x10000x64xf32, #tpu.memory_space<hbm>> -> memref<1x10000x64xf32, #tpu.memory_space<hbm>>
      %dma_wait3A_281 = tpu.memref_squeeze %dma_wait3A_280 : memref<1x10000x64xf32, #tpu.memory_space<hbm>> -> memref<10000x64xf32, #tpu.memory_space<hbm>>
      %dma_wait3A_282 = arith.constant 0 : i32
      %dma_wait3A_283 = arith.constant 0 : i32
      %dma_wait3A_284 = tpu.memref_slice %dma_wait3A_281[%dma_wait3A_282, %dma_wait3A_283] : memref<10000x64xf32, #tpu.memory_space<hbm>> -> memref<10000x64xf32, #tpu.memory_space<hbm>>
      %dma_wait3A_285 = tpu.memref_slice %arg11[%dma_wait3A_270] : memref<6x!tpu.dma_semaphore, #tpu.memory_space<semaphore_mem>> -> memref<1x!tpu.dma_semaphore, #tpu.memory_space<semaphore_mem>>
      %dma_wait3A_286 = tpu.memref_squeeze %dma_wait3A_285 : memref<1x!tpu.dma_semaphore, #tpu.memory_space<semaphore_mem>> -> memref<!tpu.dma_semaphore, #tpu.memory_space<semaphore_mem>>
      tpu.wait_indirect_dma semaphore(%dma_wait3A_286 : memref<!tpu.dma_semaphore, #tpu.memory_space<semaphore_mem>>) src(%dma_wait3A_284 : memref<10000x64xf32, #tpu.memory_space<hbm>>) dst(%dma_wait3A_274 : memref<128x64xf32, #tpu.memory_space<vmem>>)
      %add3A_287 = arith.constant 2 : i32
      %add3A_288 = arith.addi %mul3A_195, %add3A_287 : i32
      %dma_start3A_289 = arith.constant 2 : i32
      %dma_start3A_290 = arith.constant 2 : i32
      %dma_start3A_291 = arith.constant 0 : i32
      %dma_start3A_292 = arith.constant 0 : i32
      %dma_start3A_293 = tpu.memref_slice %arg9[%dma_start3A_289, %dma_start3A_291, %dma_start3A_292] : memref<6x128x64xf32, #tpu.memory_space<vmem>> -> memref<1x128x64xf32, #tpu.memory_space<vmem>>
      %dma_start3A_294 = tpu.memref_squeeze %dma_start3A_293 : memref<1x128x64xf32, #tpu.memory_space<vmem>> -> memref<128x64xf32, #tpu.memory_space<vmem>>
      %dma_start3A_295 = arith.constant 0 : i32
      %dma_start3A_296 = tpu.memref_slice %arg8[%add3A_288, %dma_start3A_295] : memref<157x128xi32, #tpu.memory_space<vmem>> -> memref<1x128xi32, #tpu.memory_space<vmem>>
      %dma_start3A_297 = tpu.memref_squeeze %dma_start3A_296 : memref<1x128xi32, #tpu.memory_space<vmem>> -> memref<128xi32, #tpu.memory_space<vmem>>
      %dma_start3A_298 = arith.constant 0 : i32
      %dma_start3A_299 = arith.constant 0 : i32
      %dma_start3A_300 = tpu.memref_slice %arg10[%dma_start3A_298, %dma_start3A_299] : memref<10240x64xf32, #tpu.memory_space<vmem_shared>> -> memref<10240x64xf32, #tpu.memory_space<vmem_shared>>
      %dma_start3A_301 = tpu.memref_slice %arg12[%dma_start3A_290] : memref<6x!tpu.dma_semaphore, #tpu.memory_space<semaphore_mem>> -> memref<1x!tpu.dma_semaphore, #tpu.memory_space<semaphore_mem>>
      %dma_start3A_302 = tpu.memref_squeeze %dma_start3A_301 : memref<1x!tpu.dma_semaphore, #tpu.memory_space<semaphore_mem>> -> memref<!tpu.dma_semaphore, #tpu.memory_space<semaphore_mem>>
      tpu.enqueue_indirect_dma source(%dma_start3A_294 : memref<128x64xf32, #tpu.memory_space<vmem>>) target(%dma_start3A_300 : memref<10240x64xf32, #tpu.memory_space<vmem_shared>>) offsets(%dma_start3A_297 : memref<128xi32, #tpu.memory_space<vmem>>) semaphore(%dma_start3A_302 : memref<!tpu.dma_semaphore, #tpu.memory_space<semaphore_mem>>) {add = true}
      %add3A_303 = arith.constant 3 : i32
      %add3A_304 = arith.addi %mul3A_195, %add3A_303 : i32
      %dma_wait3A_305 = arith.constant 3 : i32
      %dma_wait3A_306 = arith.constant 3 : i32
      %dma_wait3A_307 = arith.constant 0 : i32
      %dma_wait3A_308 = arith.constant 0 : i32
      %dma_wait3A_309 = tpu.memref_slice %arg9[%dma_wait3A_305, %dma_wait3A_307, %dma_wait3A_308] : memref<6x128x64xf32, #tpu.memory_space<vmem>> -> memref<1x128x64xf32, #tpu.memory_space<vmem>>
      %dma_wait3A_310 = tpu.memref_squeeze %dma_wait3A_309 : memref<1x128x64xf32, #tpu.memory_space<vmem>> -> memref<128x64xf32, #tpu.memory_space<vmem>>
      %dma_wait3A_311 = arith.constant 0 : i32
      %dma_wait3A_312 = tpu.memref_slice %arg7[%add3A_304, %dma_wait3A_311] : memref<157x128xi32, #tpu.memory_space<vmem>> -> memref<1x128xi32, #tpu.memory_space<vmem>>
      %dma_wait3A_313 = tpu.memref_squeeze %dma_wait3A_312 : memref<1x128xi32, #tpu.memory_space<vmem>> -> memref<128xi32, #tpu.memory_space<vmem>>
      %dma_wait3A_314 = arith.constant 0 : i32
      %dma_wait3A_315 = arith.constant 0 : i32
      %dma_wait3A_316 = tpu.memref_slice %arg4[%arg0, %dma_wait3A_314, %dma_wait3A_315] : memref<2x10000x64xf32, #tpu.memory_space<hbm>> -> memref<1x10000x64xf32, #tpu.memory_space<hbm>>
      %dma_wait3A_317 = tpu.memref_squeeze %dma_wait3A_316 : memref<1x10000x64xf32, #tpu.memory_space<hbm>> -> memref<10000x64xf32, #tpu.memory_space<hbm>>
      %dma_wait3A_318 = arith.constant 0 : i32
      %dma_wait3A_319 = arith.constant 0 : i32
      %dma_wait3A_320 = tpu.memref_slice %dma_wait3A_317[%dma_wait3A_318, %dma_wait3A_319] : memref<10000x64xf32, #tpu.memory_space<hbm>> -> memref<10000x64xf32, #tpu.memory_space<hbm>>
      %dma_wait3A_321 = tpu.memref_slice %arg11[%dma_wait3A_306] : memref<6x!tpu.dma_semaphore, #tpu.memory_space<semaphore_mem>> -> memref<1x!tpu.dma_semaphore, #tpu.memory_space<semaphore_mem>>
      %dma_wait3A_322 = tpu.memref_squeeze %dma_wait3A_321 : memref<1x!tpu.dma_semaphore, #tpu.memory_space<semaphore_mem>> -> memref<!tpu.dma_semaphore, #tpu.memory_space<semaphore_mem>>
      tpu.wait_indirect_dma semaphore(%dma_wait3A_322 : memref<!tpu.dma_semaphore, #tpu.memory_space<semaphore_mem>>) src(%dma_wait3A_320 : memref<10000x64xf32, #tpu.memory_space<hbm>>) dst(%dma_wait3A_310 : memref<128x64xf32, #tpu.memory_space<vmem>>)
      %add3A_323 = arith.constant 3 : i32
      %add3A_324 = arith.addi %mul3A_195, %add3A_323 : i32
      %dma_start3A_325 = arith.constant 3 : i32
      %dma_start3A_326 = arith.constant 3 : i32
      %dma_start3A_327 = arith.constant 0 : i32
      %dma_start3A_328 = arith.constant 0 : i32
      %dma_start3A_329 = tpu.memref_slice %arg9[%dma_start3A_325, %dma_start3A_327, %dma_start3A_328] : memref<6x128x64xf32, #tpu.memory_space<vmem>> -> memref<1x128x64xf32, #tpu.memory_space<vmem>>
      %dma_start3A_330 = tpu.memref_squeeze %dma_start3A_329 : memref<1x128x64xf32, #tpu.memory_space<vmem>> -> memref<128x64xf32, #tpu.memory_space<vmem>>
      %dma_start3A_331 = arith.constant 0 : i32
      %dma_start3A_332 = tpu.memref_slice %arg8[%add3A_324, %dma_start3A_331] : memref<157x128xi32, #tpu.memory_space<vmem>> -> memref<1x128xi32, #tpu.memory_space<vmem>>
      %dma_start3A_333 = tpu.memref_squeeze %dma_start3A_332 : memref<1x128xi32, #tpu.memory_space<vmem>> -> memref<128xi32, #tpu.memory_space<vmem>>
      %dma_start3A_334 = arith.constant 0 : i32
      %dma_start3A_335 = arith.constant 0 : i32
      %dma_start3A_336 = tpu.memref_slice %arg10[%dma_start3A_334, %dma_start3A_335] : memref<10240x64xf32, #tpu.memory_space<vmem_shared>> -> memref<10240x64xf32, #tpu.memory_space<vmem_shared>>
      %dma_start3A_337 = tpu.memref_slice %arg12[%dma_start3A_326] : memref<6x!tpu.dma_semaphore, #tpu.memory_space<semaphore_mem>> -> memref<1x!tpu.dma_semaphore, #tpu.memory_space<semaphore_mem>>
      %dma_start3A_338 = tpu.memref_squeeze %dma_start3A_337 : memref<1x!tpu.dma_semaphore, #tpu.memory_space<semaphore_mem>> -> memref<!tpu.dma_semaphore, #tpu.memory_space<semaphore_mem>>
      tpu.enqueue_indirect_dma source(%dma_start3A_330 : memref<128x64xf32, #tpu.memory_space<vmem>>) target(%dma_start3A_336 : memref<10240x64xf32, #tpu.memory_space<vmem_shared>>) offsets(%dma_start3A_333 : memref<128xi32, #tpu.memory_space<vmem>>) semaphore(%dma_start3A_338 : memref<!tpu.dma_semaphore, #tpu.memory_space<semaphore_mem>>) {add = true}
      %add3A_339 = arith.constant 4 : i32
      %add3A_340 = arith.addi %mul3A_195, %add3A_339 : i32
      %dma_wait3A_341 = arith.constant 4 : i32
      %dma_wait3A_342 = arith.constant 4 : i32
      %dma_wait3A_343 = arith.constant 0 : i32
      %dma_wait3A_344 = arith.constant 0 : i32
      %dma_wait3A_345 = tpu.memref_slice %arg9[%dma_wait3A_341, %dma_wait3A_343, %dma_wait3A_344] : memref<6x128x64xf32, #tpu.memory_space<vmem>> -> memref<1x128x64xf32, #tpu.memory_space<vmem>>
      %dma_wait3A_346 = tpu.memref_squeeze %dma_wait3A_345 : memref<1x128x64xf32, #tpu.memory_space<vmem>> -> memref<128x64xf32, #tpu.memory_space<vmem>>
      %dma_wait3A_347 = arith.constant 0 : i32
      %dma_wait3A_348 = tpu.memref_slice %arg7[%add3A_340, %dma_wait3A_347] : memref<157x128xi32, #tpu.memory_space<vmem>> -> memref<1x128xi32, #tpu.memory_space<vmem>>
      %dma_wait3A_349 = tpu.memref_squeeze %dma_wait3A_348 : memref<1x128xi32, #tpu.memory_space<vmem>> -> memref<128xi32, #tpu.memory_space<vmem>>
      %dma_wait3A_350 = arith.constant 0 : i32
      %dma_wait3A_351 = arith.constant 0 : i32
      %dma_wait3A_352 = tpu.memref_slice %arg4[%arg0, %dma_wait3A_350, %dma_wait3A_351] : memref<2x10000x64xf32, #tpu.memory_space<hbm>> -> memref<1x10000x64xf32, #tpu.memory_space<hbm>>
      %dma_wait3A_353 = tpu.memref_squeeze %dma_wait3A_352 : memref<1x10000x64xf32, #tpu.memory_space<hbm>> -> memref<10000x64xf32, #tpu.memory_space<hbm>>
      %dma_wait3A_354 = arith.constant 0 : i32
      %dma_wait3A_355 = arith.constant 0 : i32
      %dma_wait3A_356 = tpu.memref_slice %dma_wait3A_353[%dma_wait3A_354, %dma_wait3A_355] : memref<10000x64xf32, #tpu.memory_space<hbm>> -> memref<10000x64xf32, #tpu.memory_space<hbm>>
      %dma_wait3A_357 = tpu.memref_slice %arg11[%dma_wait3A_342] : memref<6x!tpu.dma_semaphore, #tpu.memory_space<semaphore_mem>> -> memref<1x!tpu.dma_semaphore, #tpu.memory_space<semaphore_mem>>
      %dma_wait3A_358 = tpu.memref_squeeze %dma_wait3A_357 : memref<1x!tpu.dma_semaphore, #tpu.memory_space<semaphore_mem>> -> memref<!tpu.dma_semaphore, #tpu.memory_space<semaphore_mem>>
      tpu.wait_indirect_dma semaphore(%dma_wait3A_358 : memref<!tpu.dma_semaphore, #tpu.memory_space<semaphore_mem>>) src(%dma_wait3A_356 : memref<10000x64xf32, #tpu.memory_space<hbm>>) dst(%dma_wait3A_346 : memref<128x64xf32, #tpu.memory_space<vmem>>)
      %add3A_359 = arith.constant 4 : i32
      %add3A_360 = arith.addi %mul3A_195, %add3A_359 : i32
      %dma_start3A_361 = arith.constant 4 : i32
      %dma_start3A_362 = arith.constant 4 : i32
      %dma_start3A_363 = arith.constant 0 : i32
      %dma_start3A_364 = arith.constant 0 : i32
      %dma_start3A_365 = tpu.memref_slice %arg9[%dma_start3A_361, %dma_start3A_363, %dma_start3A_364] : memref<6x128x64xf32, #tpu.memory_space<vmem>> -> memref<1x128x64xf32, #tpu.memory_space<vmem>>
      %dma_start3A_366 = tpu.memref_squeeze %dma_start3A_365 : memref<1x128x64xf32, #tpu.memory_space<vmem>> -> memref<128x64xf32, #tpu.memory_space<vmem>>
      %dma_start3A_367 = arith.constant 0 : i32
      %dma_start3A_368 = tpu.memref_slice %arg8[%add3A_360, %dma_start3A_367] : memref<157x128xi32, #tpu.memory_space<vmem>> -> memref<1x128xi32, #tpu.memory_space<vmem>>
      %dma_start3A_369 = tpu.memref_squeeze %dma_start3A_368 : memref<1x128xi32, #tpu.memory_space<vmem>> -> memref<128xi32, #tpu.memory_space<vmem>>
      %dma_start3A_370 = arith.constant 0 : i32
      %dma_start3A_371 = arith.constant 0 : i32
      %dma_start3A_372 = tpu.memref_slice %arg10[%dma_start3A_370, %dma_start3A_371] : memref<10240x64xf32, #tpu.memory_space<vmem_shared>> -> memref<10240x64xf32, #tpu.memory_space<vmem_shared>>
      %dma_start3A_373 = tpu.memref_slice %arg12[%dma_start3A_362] : memref<6x!tpu.dma_semaphore, #tpu.memory_space<semaphore_mem>> -> memref<1x!tpu.dma_semaphore, #tpu.memory_space<semaphore_mem>>
      %dma_start3A_374 = tpu.memref_squeeze %dma_start3A_373 : memref<1x!tpu.dma_semaphore, #tpu.memory_space<semaphore_mem>> -> memref<!tpu.dma_semaphore, #tpu.memory_space<semaphore_mem>>
      tpu.enqueue_indirect_dma source(%dma_start3A_366 : memref<128x64xf32, #tpu.memory_space<vmem>>) target(%dma_start3A_372 : memref<10240x64xf32, #tpu.memory_space<vmem_shared>>) offsets(%dma_start3A_369 : memref<128xi32, #tpu.memory_space<vmem>>) semaphore(%dma_start3A_374 : memref<!tpu.dma_semaphore, #tpu.memory_space<semaphore_mem>>) {add = true}
      %add3A_375 = arith.constant 5 : i32
      %add3A_376 = arith.addi %mul3A_195, %add3A_375 : i32
      %dma_wait3A_377 = arith.constant 5 : i32
      %dma_wait3A_378 = arith.constant 5 : i32
      %dma_wait3A_379 = arith.constant 0 : i32
      %dma_wait3A_380 = arith.constant 0 : i32
      %dma_wait3A_381 = tpu.memref_slice %arg9[%dma_wait3A_377, %dma_wait3A_379, %dma_wait3A_380] : memref<6x128x64xf32, #tpu.memory_space<vmem>> -> memref<1x128x64xf32, #tpu.memory_space<vmem>>
      %dma_wait3A_382 = tpu.memref_squeeze %dma_wait3A_381 : memref<1x128x64xf32, #tpu.memory_space<vmem>> -> memref<128x64xf32, #tpu.memory_space<vmem>>
      %dma_wait3A_383 = arith.constant 0 : i32
      %dma_wait3A_384 = tpu.memref_slice %arg7[%add3A_376, %dma_wait3A_383] : memref<157x128xi32, #tpu.memory_space<vmem>> -> memref<1x128xi32, #tpu.memory_space<vmem>>
      %dma_wait3A_385 = tpu.memref_squeeze %dma_wait3A_384 : memref<1x128xi32, #tpu.memory_space<vmem>> -> memref<128xi32, #tpu.memory_space<vmem>>
      %dma_wait3A_386 = arith.constant 0 : i32
      %dma_wait3A_387 = arith.constant 0 : i32
      %dma_wait3A_388 = tpu.memref_slice %arg4[%arg0, %dma_wait3A_386, %dma_wait3A_387] : memref<2x10000x64xf32, #tpu.memory_space<hbm>> -> memref<1x10000x64xf32, #tpu.memory_space<hbm>>
      %dma_wait3A_389 = tpu.memref_squeeze %dma_wait3A_388 : memref<1x10000x64xf32, #tpu.memory_space<hbm>> -> memref<10000x64xf32, #tpu.memory_space<hbm>>
      %dma_wait3A_390 = arith.constant 0 : i32
      %dma_wait3A_391 = arith.constant 0 : i32
      %dma_wait3A_392 = tpu.memref_slice %dma_wait3A_389[%dma_wait3A_390, %dma_wait3A_391] : memref<10000x64xf32, #tpu.memory_space<hbm>> -> memref<10000x64xf32, #tpu.memory_space<hbm>>
      %dma_wait3A_393 = tpu.memref_slice %arg11[%dma_wait3A_378] : memref<6x!tpu.dma_semaphore, #tpu.memory_space<semaphore_mem>> -> memref<1x!tpu.dma_semaphore, #tpu.memory_space<semaphore_mem>>
      %dma_wait3A_394 = tpu.memref_squeeze %dma_wait3A_393 : memref<1x!tpu.dma_semaphore, #tpu.memory_space<semaphore_mem>> -> memref<!tpu.dma_semaphore, #tpu.memory_space<semaphore_mem>>
      tpu.wait_indirect_dma semaphore(%dma_wait3A_394 : memref<!tpu.dma_semaphore, #tpu.memory_space<semaphore_mem>>) src(%dma_wait3A_392 : memref<10000x64xf32, #tpu.memory_space<hbm>>) dst(%dma_wait3A_382 : memref<128x64xf32, #tpu.memory_space<vmem>>)
      %add3A_395 = arith.constant 5 : i32
      %add3A_396 = arith.addi %mul3A_195, %add3A_395 : i32
      %dma_start3A_397 = arith.constant 5 : i32
      %dma_start3A_398 = arith.constant 5 : i32
      %dma_start3A_399 = arith.constant 0 : i32
      %dma_start3A_400 = arith.constant 0 : i32
      %dma_start3A_401 = tpu.memref_slice %arg9[%dma_start3A_397, %dma_start3A_399, %dma_start3A_400] : memref<6x128x64xf32, #tpu.memory_space<vmem>> -> memref<1x128x64xf32, #tpu.memory_space<vmem>>
      %dma_start3A_402 = tpu.memref_squeeze %dma_start3A_401 : memref<1x128x64xf32, #tpu.memory_space<vmem>> -> memref<128x64xf32, #tpu.memory_space<vmem>>
      %dma_start3A_403 = arith.constant 0 : i32
      %dma_start3A_404 = tpu.memref_slice %arg8[%add3A_396, %dma_start3A_403] : memref<157x128xi32, #tpu.memory_space<vmem>> -> memref<1x128xi32, #tpu.memory_space<vmem>>
      %dma_start3A_405 = tpu.memref_squeeze %dma_start3A_404 : memref<1x128xi32, #tpu.memory_space<vmem>> -> memref<128xi32, #tpu.memory_space<vmem>>
      %dma_start3A_406 = arith.constant 0 : i32
      %dma_start3A_407 = arith.constant 0 : i32
      %dma_start3A_408 = tpu.memref_slice %arg10[%dma_start3A_406, %dma_start3A_407] : memref<10240x64xf32, #tpu.memory_space<vmem_shared>> -> memref<10240x64xf32, #tpu.memory_space<vmem_shared>>
      %dma_start3A_409 = tpu.memref_slice %arg12[%dma_start3A_398] : memref<6x!tpu.dma_semaphore, #tpu.memory_space<semaphore_mem>> -> memref<1x!tpu.dma_semaphore, #tpu.memory_space<semaphore_mem>>
      %dma_start3A_410 = tpu.memref_squeeze %dma_start3A_409 : memref<1x!tpu.dma_semaphore, #tpu.memory_space<semaphore_mem>> -> memref<!tpu.dma_semaphore, #tpu.memory_space<semaphore_mem>>
      tpu.enqueue_indirect_dma source(%dma_start3A_402 : memref<128x64xf32, #tpu.memory_space<vmem>>) target(%dma_start3A_408 : memref<10240x64xf32, #tpu.memory_space<vmem_shared>>) offsets(%dma_start3A_405 : memref<128xi32, #tpu.memory_space<vmem>>) semaphore(%dma_start3A_410 : memref<!tpu.dma_semaphore, #tpu.memory_space<semaphore_mem>>) {add = true}
      %add3A_411 = arith.constant 0 : i32
      %add3A_412 = arith.addi %mul3A_195, %add3A_411 : i32
      %dma_wait3A_413 = arith.constant 0 : i32
      %dma_wait3A_414 = arith.constant 0 : i32
      %dma_wait3A_415 = arith.constant 0 : i32
      %dma_wait3A_416 = arith.constant 0 : i32
      %dma_wait3A_417 = tpu.memref_slice %arg9[%dma_wait3A_413, %dma_wait3A_415, %dma_wait3A_416] : memref<6x128x64xf32, #tpu.memory_space<vmem>> -> memref<1x128x64xf32, #tpu.memory_space<vmem>>
      %dma_wait3A_418 = tpu.memref_squeeze %dma_wait3A_417 : memref<1x128x64xf32, #tpu.memory_space<vmem>> -> memref<128x64xf32, #tpu.memory_space<vmem>>
      %dma_wait3A_419 = arith.constant 0 : i32
      %dma_wait3A_420 = tpu.memref_slice %arg8[%add3A_412, %dma_wait3A_419] : memref<157x128xi32, #tpu.memory_space<vmem>> -> memref<1x128xi32, #tpu.memory_space<vmem>>
      %dma_wait3A_421 = tpu.memref_squeeze %dma_wait3A_420 : memref<1x128xi32, #tpu.memory_space<vmem>> -> memref<128xi32, #tpu.memory_space<vmem>>
      %dma_wait3A_422 = arith.constant 0 : i32
      %dma_wait3A_423 = arith.constant 0 : i32
      %dma_wait3A_424 = tpu.memref_slice %arg10[%dma_wait3A_422, %dma_wait3A_423] : memref<10240x64xf32, #tpu.memory_space<vmem_shared>> -> memref<10240x64xf32, #tpu.memory_space<vmem_shared>>
      %dma_wait3A_425 = tpu.memref_slice %arg12[%dma_wait3A_414] : memref<6x!tpu.dma_semaphore, #tpu.memory_space<semaphore_mem>> -> memref<1x!tpu.dma_semaphore, #tpu.memory_space<semaphore_mem>>
      %dma_wait3A_426 = tpu.memref_squeeze %dma_wait3A_425 : memref<1x!tpu.dma_semaphore, #tpu.memory_space<semaphore_mem>> -> memref<!tpu.dma_semaphore, #tpu.memory_space<semaphore_mem>>
      tpu.wait_indirect_dma semaphore(%dma_wait3A_426 : memref<!tpu.dma_semaphore, #tpu.memory_space<semaphore_mem>>) src(%dma_wait3A_418 : memref<128x64xf32, #tpu.memory_space<vmem>>) dst(%dma_wait3A_424 : memref<10240x64xf32, #tpu.memory_space<vmem_shared>>)
      %add3A_427 = arith.constant 6 : i32
      %add3A_428 = arith.addi %mul3A_195, %add3A_427 : i32
      %add3A_429 = arith.constant 0 : i32
      %add3A_430 = arith.addi %add3A_428, %add3A_429 : i32
      %lt3A = arith.constant 156 : i32
      %lt3A_431 = arith.cmpi slt, %add3A_430, %lt3A : i32
      %convert_element_type3A = arith.extui %lt3A_431 : i1 to i32
      %cond3A = arith.constant 0 : i32
      %cond3A_432 = arith.cmpi ne, %convert_element_type3A, %cond3A : i32
      scf.if %cond3A_432 {
        %add3A_558 = arith.constant 6 : i32
        %add3A_559 = arith.addi %mul3A_195, %add3A_558 : i32
        %add3A_560 = arith.constant 0 : i32
        %add3A_561 = arith.addi %add3A_559, %add3A_560 : i32
        %dma_start3A_562 = arith.constant 0 : i32
        %dma_start3A_563 = arith.constant 0 : i32
        %dma_start3A_564 = arith.constant 0 : i32
        %dma_start3A_565 = arith.constant 0 : i32
        %dma_start3A_566 = tpu.memref_slice %arg9[%dma_start3A_562, %dma_start3A_564, %dma_start3A_565] : memref<6x128x64xf32, #tpu.memory_space<vmem>> -> memref<1x128x64xf32, #tpu.memory_space<vmem>>
        %dma_start3A_567 = tpu.memref_squeeze %dma_start3A_566 : memref<1x128x64xf32, #tpu.memory_space<vmem>> -> memref<128x64xf32, #tpu.memory_space<vmem>>
        %dma_start3A_568 = arith.constant 0 : i32
        %dma_start3A_569 = tpu.memref_slice %arg7[%add3A_561, %dma_start3A_568] : memref<157x128xi32, #tpu.memory_space<vmem>> -> memref<1x128xi32, #tpu.memory_space<vmem>>
        %dma_start3A_570 = tpu.memref_squeeze %dma_start3A_569 : memref<1x128xi32, #tpu.memory_space<vmem>> -> memref<128xi32, #tpu.memory_space<vmem>>
        %dma_start3A_571 = arith.constant 0 : i32
        %dma_start3A_572 = arith.constant 0 : i32
        %dma_start3A_573 = tpu.memref_slice %arg4[%arg0, %dma_start3A_571, %dma_start3A_572] : memref<2x10000x64xf32, #tpu.memory_space<hbm>> -> memref<1x10000x64xf32, #tpu.memory_space<hbm>>
        %dma_start3A_574 = tpu.memref_squeeze %dma_start3A_573 : memref<1x10000x64xf32, #tpu.memory_space<hbm>> -> memref<10000x64xf32, #tpu.memory_space<hbm>>
        %dma_start3A_575 = arith.constant 0 : i32
        %dma_start3A_576 = arith.constant 0 : i32
        %dma_start3A_577 = tpu.memref_slice %dma_start3A_574[%dma_start3A_575, %dma_start3A_576] : memref<10000x64xf32, #tpu.memory_space<hbm>> -> memref<10000x64xf32, #tpu.memory_space<hbm>>
        %dma_start3A_578 = tpu.memref_slice %arg11[%dma_start3A_563] : memref<6x!tpu.dma_semaphore, #tpu.memory_space<semaphore_mem>> -> memref<1x!tpu.dma_semaphore, #tpu.memory_space<semaphore_mem>>
        %dma_start3A_579 = tpu.memref_squeeze %dma_start3A_578 : memref<1x!tpu.dma_semaphore, #tpu.memory_space<semaphore_mem>> -> memref<!tpu.dma_semaphore, #tpu.memory_space<semaphore_mem>>
        tpu.enqueue_indirect_dma source(%dma_start3A_577 : memref<10000x64xf32, #tpu.memory_space<hbm>>) target(%dma_start3A_567 : memref<128x64xf32, #tpu.memory_space<vmem>>) offsets(%dma_start3A_570 : memref<128xi32, #tpu.memory_space<vmem>>) semaphore(%dma_start3A_579 : memref<!tpu.dma_semaphore, #tpu.memory_space<semaphore_mem>>)
      } else {
      }
      %add3A_433 = arith.constant 1 : i32
      %add3A_434 = arith.addi %mul3A_195, %add3A_433 : i32
      %dma_wait3A_435 = arith.constant 1 : i32
      %dma_wait3A_436 = arith.constant 1 : i32
      %dma_wait3A_437 = arith.constant 0 : i32
      %dma_wait3A_438 = arith.constant 0 : i32
      %dma_wait3A_439 = tpu.memref_slice %arg9[%dma_wait3A_435, %dma_wait3A_437, %dma_wait3A_438] : memref<6x128x64xf32, #tpu.memory_space<vmem>> -> memref<1x128x64xf32, #tpu.memory_space<vmem>>
      %dma_wait3A_440 = tpu.memref_squeeze %dma_wait3A_439 : memref<1x128x64xf32, #tpu.memory_space<vmem>> -> memref<128x64xf32, #tpu.memory_space<vmem>>
      %dma_wait3A_441 = arith.constant 0 : i32
      %dma_wait3A_442 = tpu.memref_slice %arg8[%add3A_434, %dma_wait3A_441] : memref<157x128xi32, #tpu.memory_space<vmem>> -> memref<1x128xi32, #tpu.memory_space<vmem>>
      %dma_wait3A_443 = tpu.memref_squeeze %dma_wait3A_442 : memref<1x128xi32, #tpu.memory_space<vmem>> -> memref<128xi32, #tpu.memory_space<vmem>>
      %dma_wait3A_444 = arith.constant 0 : i32
      %dma_wait3A_445 = arith.constant 0 : i32
      %dma_wait3A_446 = tpu.memref_slice %arg10[%dma_wait3A_444, %dma_wait3A_445] : memref<10240x64xf32, #tpu.memory_space<vmem_shared>> -> memref<10240x64xf32, #tpu.memory_space<vmem_shared>>
      %dma_wait3A_447 = tpu.memref_slice %arg12[%dma_wait3A_436] : memref<6x!tpu.dma_semaphore, #tpu.memory_space<semaphore_mem>> -> memref<1x!tpu.dma_semaphore, #tpu.memory_space<semaphore_mem>>
      %dma_wait3A_448 = tpu.memref_squeeze %dma_wait3A_447 : memref<1x!tpu.dma_semaphore, #tpu.memory_space<semaphore_mem>> -> memref<!tpu.dma_semaphore, #tpu.memory_space<semaphore_mem>>
      tpu.wait_indirect_dma semaphore(%dma_wait3A_448 : memref<!tpu.dma_semaphore, #tpu.memory_space<semaphore_mem>>) src(%dma_wait3A_440 : memref<128x64xf32, #tpu.memory_space<vmem>>) dst(%dma_wait3A_446 : memref<10240x64xf32, #tpu.memory_space<vmem_shared>>)
      %add3A_449 = arith.constant 6 : i32
      %add3A_450 = arith.addi %mul3A_195, %add3A_449 : i32
      %add3A_451 = arith.constant 1 : i32
      %add3A_452 = arith.addi %add3A_450, %add3A_451 : i32
      %lt3A_453 = arith.constant 156 : i32
      %lt3A_454 = arith.cmpi slt, %add3A_452, %lt3A_453 : i32
      %convert_element_type3A_455 = arith.extui %lt3A_454 : i1 to i32
      %cond3A_456 = arith.constant 0 : i32
      %cond3A_457 = arith.cmpi ne, %convert_element_type3A_455, %cond3A_456 : i32
      scf.if %cond3A_457 {
        %add3A_558 = arith.constant 6 : i32
        %add3A_559 = arith.addi %mul3A_195, %add3A_558 : i32
        %add3A_560 = arith.constant 1 : i32
        %add3A_561 = arith.addi %add3A_559, %add3A_560 : i32
        %dma_start3A_562 = arith.constant 1 : i32
        %dma_start3A_563 = arith.constant 1 : i32
        %dma_start3A_564 = arith.constant 0 : i32
        %dma_start3A_565 = arith.constant 0 : i32
        %dma_start3A_566 = tpu.memref_slice %arg9[%dma_start3A_562, %dma_start3A_564, %dma_start3A_565] : memref<6x128x64xf32, #tpu.memory_space<vmem>> -> memref<1x128x64xf32, #tpu.memory_space<vmem>>
        %dma_start3A_567 = tpu.memref_squeeze %dma_start3A_566 : memref<1x128x64xf32, #tpu.memory_space<vmem>> -> memref<128x64xf32, #tpu.memory_space<vmem>>
        %dma_start3A_568 = arith.constant 0 : i32
        %dma_start3A_569 = tpu.memref_slice %arg7[%add3A_561, %dma_start3A_568] : memref<157x128xi32, #tpu.memory_space<vmem>> -> memref<1x128xi32, #tpu.memory_space<vmem>>
        %dma_start3A_570 = tpu.memref_squeeze %dma_start3A_569 : memref<1x128xi32, #tpu.memory_space<vmem>> -> memref<128xi32, #tpu.memory_space<vmem>>
        %dma_start3A_571 = arith.constant 0 : i32
        %dma_start3A_572 = arith.constant 0 : i32
        %dma_start3A_573 = tpu.memref_slice %arg4[%arg0, %dma_start3A_571, %dma_start3A_572] : memref<2x10000x64xf32, #tpu.memory_space<hbm>> -> memref<1x10000x64xf32, #tpu.memory_space<hbm>>
        %dma_start3A_574 = tpu.memref_squeeze %dma_start3A_573 : memref<1x10000x64xf32, #tpu.memory_space<hbm>> -> memref<10000x64xf32, #tpu.memory_space<hbm>>
        %dma_start3A_575 = arith.constant 0 : i32
        %dma_start3A_576 = arith.constant 0 : i32
        %dma_start3A_577 = tpu.memref_slice %dma_start3A_574[%dma_start3A_575, %dma_start3A_576] : memref<10000x64xf32, #tpu.memory_space<hbm>> -> memref<10000x64xf32, #tpu.memory_space<hbm>>
        %dma_start3A_578 = tpu.memref_slice %arg11[%dma_start3A_563] : memref<6x!tpu.dma_semaphore, #tpu.memory_space<semaphore_mem>> -> memref<1x!tpu.dma_semaphore, #tpu.memory_space<semaphore_mem>>
        %dma_start3A_579 = tpu.memref_squeeze %dma_start3A_578 : memref<1x!tpu.dma_semaphore, #tpu.memory_space<semaphore_mem>> -> memref<!tpu.dma_semaphore, #tpu.memory_space<semaphore_mem>>
        tpu.enqueue_indirect_dma source(%dma_start3A_577 : memref<10000x64xf32, #tpu.memory_space<hbm>>) target(%dma_start3A_567 : memref<128x64xf32, #tpu.memory_space<vmem>>) offsets(%dma_start3A_570 : memref<128xi32, #tpu.memory_space<vmem>>) semaphore(%dma_start3A_579 : memref<!tpu.dma_semaphore, #tpu.memory_space<semaphore_mem>>)
      } else {
      }
      %add3A_458 = arith.constant 2 : i32
      %add3A_459 = arith.addi %mul3A_195, %add3A_458 : i32
      %dma_wait3A_460 = arith.constant 2 : i32
      %dma_wait3A_461 = arith.constant 2 : i32
      %dma_wait3A_462 = arith.constant 0 : i32
      %dma_wait3A_463 = arith.constant 0 : i32
      %dma_wait3A_464 = tpu.memref_slice %arg9[%dma_wait3A_460, %dma_wait3A_462, %dma_wait3A_463] : memref<6x128x64xf32, #tpu.memory_space<vmem>> -> memref<1x128x64xf32, #tpu.memory_space<vmem>>
      %dma_wait3A_465 = tpu.memref_squeeze %dma_wait3A_464 : memref<1x128x64xf32, #tpu.memory_space<vmem>> -> memref<128x64xf32, #tpu.memory_space<vmem>>
      %dma_wait3A_466 = arith.constant 0 : i32
      %dma_wait3A_467 = tpu.memref_slice %arg8[%add3A_459, %dma_wait3A_466] : memref<157x128xi32, #tpu.memory_space<vmem>> -> memref<1x128xi32, #tpu.memory_space<vmem>>
      %dma_wait3A_468 = tpu.memref_squeeze %dma_wait3A_467 : memref<1x128xi32, #tpu.memory_space<vmem>> -> memref<128xi32, #tpu.memory_space<vmem>>
      %dma_wait3A_469 = arith.constant 0 : i32
      %dma_wait3A_470 = arith.constant 0 : i32
      %dma_wait3A_471 = tpu.memref_slice %arg10[%dma_wait3A_469, %dma_wait3A_470] : memref<10240x64xf32, #tpu.memory_space<vmem_shared>> -> memref<10240x64xf32, #tpu.memory_space<vmem_shared>>
      %dma_wait3A_472 = tpu.memref_slice %arg12[%dma_wait3A_461] : memref<6x!tpu.dma_semaphore, #tpu.memory_space<semaphore_mem>> -> memref<1x!tpu.dma_semaphore, #tpu.memory_space<semaphore_mem>>
      %dma_wait3A_473 = tpu.memref_squeeze %dma_wait3A_472 : memref<1x!tpu.dma_semaphore, #tpu.memory_space<semaphore_mem>> -> memref<!tpu.dma_semaphore, #tpu.memory_space<semaphore_mem>>
      tpu.wait_indirect_dma semaphore(%dma_wait3A_473 : memref<!tpu.dma_semaphore, #tpu.memory_space<semaphore_mem>>) src(%dma_wait3A_465 : memref<128x64xf32, #tpu.memory_space<vmem>>) dst(%dma_wait3A_471 : memref<10240x64xf32, #tpu.memory_space<vmem_shared>>)
      %add3A_474 = arith.constant 6 : i32
      %add3A_475 = arith.addi %mul3A_195, %add3A_474 : i32
      %add3A_476 = arith.constant 2 : i32
      %add3A_477 = arith.addi %add3A_475, %add3A_476 : i32
      %lt3A_478 = arith.constant 156 : i32
      %lt3A_479 = arith.cmpi slt, %add3A_477, %lt3A_478 : i32
      %convert_element_type3A_480 = arith.extui %lt3A_479 : i1 to i32
      %cond3A_481 = arith.constant 0 : i32
      %cond3A_482 = arith.cmpi ne, %convert_element_type3A_480, %cond3A_481 : i32
      scf.if %cond3A_482 {
        %add3A_558 = arith.constant 6 : i32
        %add3A_559 = arith.addi %mul3A_195, %add3A_558 : i32
        %add3A_560 = arith.constant 2 : i32
        %add3A_561 = arith.addi %add3A_559, %add3A_560 : i32
        %dma_start3A_562 = arith.constant 2 : i32
        %dma_start3A_563 = arith.constant 2 : i32
        %dma_start3A_564 = arith.constant 0 : i32
        %dma_start3A_565 = arith.constant 0 : i32
        %dma_start3A_566 = tpu.memref_slice %arg9[%dma_start3A_562, %dma_start3A_564, %dma_start3A_565] : memref<6x128x64xf32, #tpu.memory_space<vmem>> -> memref<1x128x64xf32, #tpu.memory_space<vmem>>
        %dma_start3A_567 = tpu.memref_squeeze %dma_start3A_566 : memref<1x128x64xf32, #tpu.memory_space<vmem>> -> memref<128x64xf32, #tpu.memory_space<vmem>>
        %dma_start3A_568 = arith.constant 0 : i32
        %dma_start3A_569 = tpu.memref_slice %arg7[%add3A_561, %dma_start3A_568] : memref<157x128xi32, #tpu.memory_space<vmem>> -> memref<1x128xi32, #tpu.memory_space<vmem>>
        %dma_start3A_570 = tpu.memref_squeeze %dma_start3A_569 : memref<1x128xi32, #tpu.memory_space<vmem>> -> memref<128xi32, #tpu.memory_space<vmem>>
        %dma_start3A_571 = arith.constant 0 : i32
        %dma_start3A_572 = arith.constant 0 : i32
        %dma_start3A_573 = tpu.memref_slice %arg4[%arg0, %dma_start3A_571, %dma_start3A_572] : memref<2x10000x64xf32, #tpu.memory_space<hbm>> -> memref<1x10000x64xf32, #tpu.memory_space<hbm>>
        %dma_start3A_574 = tpu.memref_squeeze %dma_start3A_573 : memref<1x10000x64xf32, #tpu.memory_space<hbm>> -> memref<10000x64xf32, #tpu.memory_space<hbm>>
        %dma_start3A_575 = arith.constant 0 : i32
        %dma_start3A_576 = arith.constant 0 : i32
        %dma_start3A_577 = tpu.memref_slice %dma_start3A_574[%dma_start3A_575, %dma_start3A_576] : memref<10000x64xf32, #tpu.memory_space<hbm>> -> memref<10000x64xf32, #tpu.memory_space<hbm>>
        %dma_start3A_578 = tpu.memref_slice %arg11[%dma_start3A_563] : memref<6x!tpu.dma_semaphore, #tpu.memory_space<semaphore_mem>> -> memref<1x!tpu.dma_semaphore, #tpu.memory_space<semaphore_mem>>
        %dma_start3A_579 = tpu.memref_squeeze %dma_start3A_578 : memref<1x!tpu.dma_semaphore, #tpu.memory_space<semaphore_mem>> -> memref<!tpu.dma_semaphore, #tpu.memory_space<semaphore_mem>>
        tpu.enqueue_indirect_dma source(%dma_start3A_577 : memref<10000x64xf32, #tpu.memory_space<hbm>>) target(%dma_start3A_567 : memref<128x64xf32, #tpu.memory_space<vmem>>) offsets(%dma_start3A_570 : memref<128xi32, #tpu.memory_space<vmem>>) semaphore(%dma_start3A_579 : memref<!tpu.dma_semaphore, #tpu.memory_space<semaphore_mem>>)
      } else {
      }
      %add3A_483 = arith.constant 3 : i32
      %add3A_484 = arith.addi %mul3A_195, %add3A_483 : i32
      %dma_wait3A_485 = arith.constant 3 : i32
      %dma_wait3A_486 = arith.constant 3 : i32
      %dma_wait3A_487 = arith.constant 0 : i32
      %dma_wait3A_488 = arith.constant 0 : i32
      %dma_wait3A_489 = tpu.memref_slice %arg9[%dma_wait3A_485, %dma_wait3A_487, %dma_wait3A_488] : memref<6x128x64xf32, #tpu.memory_space<vmem>> -> memref<1x128x64xf32, #tpu.memory_space<vmem>>
      %dma_wait3A_490 = tpu.memref_squeeze %dma_wait3A_489 : memref<1x128x64xf32, #tpu.memory_space<vmem>> -> memref<128x64xf32, #tpu.memory_space<vmem>>
      %dma_wait3A_491 = arith.constant 0 : i32
      %dma_wait3A_492 = tpu.memref_slice %arg8[%add3A_484, %dma_wait3A_491] : memref<157x128xi32, #tpu.memory_space<vmem>> -> memref<1x128xi32, #tpu.memory_space<vmem>>
      %dma_wait3A_493 = tpu.memref_squeeze %dma_wait3A_492 : memref<1x128xi32, #tpu.memory_space<vmem>> -> memref<128xi32, #tpu.memory_space<vmem>>
      %dma_wait3A_494 = arith.constant 0 : i32
      %dma_wait3A_495 = arith.constant 0 : i32
      %dma_wait3A_496 = tpu.memref_slice %arg10[%dma_wait3A_494, %dma_wait3A_495] : memref<10240x64xf32, #tpu.memory_space<vmem_shared>> -> memref<10240x64xf32, #tpu.memory_space<vmem_shared>>
      %dma_wait3A_497 = tpu.memref_slice %arg12[%dma_wait3A_486] : memref<6x!tpu.dma_semaphore, #tpu.memory_space<semaphore_mem>> -> memref<1x!tpu.dma_semaphore, #tpu.memory_space<semaphore_mem>>
      %dma_wait3A_498 = tpu.memref_squeeze %dma_wait3A_497 : memref<1x!tpu.dma_semaphore, #tpu.memory_space<semaphore_mem>> -> memref<!tpu.dma_semaphore, #tpu.memory_space<semaphore_mem>>
      tpu.wait_indirect_dma semaphore(%dma_wait3A_498 : memref<!tpu.dma_semaphore, #tpu.memory_space<semaphore_mem>>) src(%dma_wait3A_490 : memref<128x64xf32, #tpu.memory_space<vmem>>) dst(%dma_wait3A_496 : memref<10240x64xf32, #tpu.memory_space<vmem_shared>>)
      %add3A_499 = arith.constant 6 : i32
      %add3A_500 = arith.addi %mul3A_195, %add3A_499 : i32
      %add3A_501 = arith.constant 3 : i32
      %add3A_502 = arith.addi %add3A_500, %add3A_501 : i32
      %lt3A_503 = arith.constant 156 : i32
      %lt3A_504 = arith.cmpi slt, %add3A_502, %lt3A_503 : i32
      %convert_element_type3A_505 = arith.extui %lt3A_504 : i1 to i32
      %cond3A_506 = arith.constant 0 : i32
      %cond3A_507 = arith.cmpi ne, %convert_element_type3A_505, %cond3A_506 : i32
      scf.if %cond3A_507 {
        %add3A_558 = arith.constant 6 : i32
        %add3A_559 = arith.addi %mul3A_195, %add3A_558 : i32
        %add3A_560 = arith.constant 3 : i32
        %add3A_561 = arith.addi %add3A_559, %add3A_560 : i32
        %dma_start3A_562 = arith.constant 3 : i32
        %dma_start3A_563 = arith.constant 3 : i32
        %dma_start3A_564 = arith.constant 0 : i32
        %dma_start3A_565 = arith.constant 0 : i32
        %dma_start3A_566 = tpu.memref_slice %arg9[%dma_start3A_562, %dma_start3A_564, %dma_start3A_565] : memref<6x128x64xf32, #tpu.memory_space<vmem>> -> memref<1x128x64xf32, #tpu.memory_space<vmem>>
        %dma_start3A_567 = tpu.memref_squeeze %dma_start3A_566 : memref<1x128x64xf32, #tpu.memory_space<vmem>> -> memref<128x64xf32, #tpu.memory_space<vmem>>
        %dma_start3A_568 = arith.constant 0 : i32
        %dma_start3A_569 = tpu.memref_slice %arg7[%add3A_561, %dma_start3A_568] : memref<157x128xi32, #tpu.memory_space<vmem>> -> memref<1x128xi32, #tpu.memory_space<vmem>>
        %dma_start3A_570 = tpu.memref_squeeze %dma_start3A_569 : memref<1x128xi32, #tpu.memory_space<vmem>> -> memref<128xi32, #tpu.memory_space<vmem>>
        %dma_start3A_571 = arith.constant 0 : i32
        %dma_start3A_572 = arith.constant 0 : i32
        %dma_start3A_573 = tpu.memref_slice %arg4[%arg0, %dma_start3A_571, %dma_start3A_572] : memref<2x10000x64xf32, #tpu.memory_space<hbm>> -> memref<1x10000x64xf32, #tpu.memory_space<hbm>>
        %dma_start3A_574 = tpu.memref_squeeze %dma_start3A_573 : memref<1x10000x64xf32, #tpu.memory_space<hbm>> -> memref<10000x64xf32, #tpu.memory_space<hbm>>
        %dma_start3A_575 = arith.constant 0 : i32
        %dma_start3A_576 = arith.constant 0 : i32
        %dma_start3A_577 = tpu.memref_slice %dma_start3A_574[%dma_start3A_575, %dma_start3A_576] : memref<10000x64xf32, #tpu.memory_space<hbm>> -> memref<10000x64xf32, #tpu.memory_space<hbm>>
        %dma_start3A_578 = tpu.memref_slice %arg11[%dma_start3A_563] : memref<6x!tpu.dma_semaphore, #tpu.memory_space<semaphore_mem>> -> memref<1x!tpu.dma_semaphore, #tpu.memory_space<semaphore_mem>>
        %dma_start3A_579 = tpu.memref_squeeze %dma_start3A_578 : memref<1x!tpu.dma_semaphore, #tpu.memory_space<semaphore_mem>> -> memref<!tpu.dma_semaphore, #tpu.memory_space<semaphore_mem>>
        tpu.enqueue_indirect_dma source(%dma_start3A_577 : memref<10000x64xf32, #tpu.memory_space<hbm>>) target(%dma_start3A_567 : memref<128x64xf32, #tpu.memory_space<vmem>>) offsets(%dma_start3A_570 : memref<128xi32, #tpu.memory_space<vmem>>) semaphore(%dma_start3A_579 : memref<!tpu.dma_semaphore, #tpu.memory_space<semaphore_mem>>)
      } else {
      }
      %add3A_508 = arith.constant 4 : i32
      %add3A_509 = arith.addi %mul3A_195, %add3A_508 : i32
      %dma_wait3A_510 = arith.constant 4 : i32
      %dma_wait3A_511 = arith.constant 4 : i32
      %dma_wait3A_512 = arith.constant 0 : i32
      %dma_wait3A_513 = arith.constant 0 : i32
      %dma_wait3A_514 = tpu.memref_slice %arg9[%dma_wait3A_510, %dma_wait3A_512, %dma_wait3A_513] : memref<6x128x64xf32, #tpu.memory_space<vmem>> -> memref<1x128x64xf32, #tpu.memory_space<vmem>>
      %dma_wait3A_515 = tpu.memref_squeeze %dma_wait3A_514 : memref<1x128x64xf32, #tpu.memory_space<vmem>> -> memref<128x64xf32, #tpu.memory_space<vmem>>
      %dma_wait3A_516 = arith.constant 0 : i32
      %dma_wait3A_517 = tpu.memref_slice %arg8[%add3A_509, %dma_wait3A_516] : memref<157x128xi32, #tpu.memory_space<vmem>> -> memref<1x128xi32, #tpu.memory_space<vmem>>
      %dma_wait3A_518 = tpu.memref_squeeze %dma_wait3A_517 : memref<1x128xi32, #tpu.memory_space<vmem>> -> memref<128xi32, #tpu.memory_space<vmem>>
      %dma_wait3A_519 = arith.constant 0 : i32
      %dma_wait3A_520 = arith.constant 0 : i32
      %dma_wait3A_521 = tpu.memref_slice %arg10[%dma_wait3A_519, %dma_wait3A_520] : memref<10240x64xf32, #tpu.memory_space<vmem_shared>> -> memref<10240x64xf32, #tpu.memory_space<vmem_shared>>
      %dma_wait3A_522 = tpu.memref_slice %arg12[%dma_wait3A_511] : memref<6x!tpu.dma_semaphore, #tpu.memory_space<semaphore_mem>> -> memref<1x!tpu.dma_semaphore, #tpu.memory_space<semaphore_mem>>
      %dma_wait3A_523 = tpu.memref_squeeze %dma_wait3A_522 : memref<1x!tpu.dma_semaphore, #tpu.memory_space<semaphore_mem>> -> memref<!tpu.dma_semaphore, #tpu.memory_space<semaphore_mem>>
      tpu.wait_indirect_dma semaphore(%dma_wait3A_523 : memref<!tpu.dma_semaphore, #tpu.memory_space<semaphore_mem>>) src(%dma_wait3A_515 : memref<128x64xf32, #tpu.memory_space<vmem>>) dst(%dma_wait3A_521 : memref<10240x64xf32, #tpu.memory_space<vmem_shared>>)
      %add3A_524 = arith.constant 6 : i32
      %add3A_525 = arith.addi %mul3A_195, %add3A_524 : i32
      %add3A_526 = arith.constant 4 : i32
      %add3A_527 = arith.addi %add3A_525, %add3A_526 : i32
      %lt3A_528 = arith.constant 156 : i32
      %lt3A_529 = arith.cmpi slt, %add3A_527, %lt3A_528 : i32
      %convert_element_type3A_530 = arith.extui %lt3A_529 : i1 to i32
      %cond3A_531 = arith.constant 0 : i32
      %cond3A_532 = arith.cmpi ne, %convert_element_type3A_530, %cond3A_531 : i32
      scf.if %cond3A_532 {
        %add3A_558 = arith.constant 6 : i32
        %add3A_559 = arith.addi %mul3A_195, %add3A_558 : i32
        %add3A_560 = arith.constant 4 : i32
        %add3A_561 = arith.addi %add3A_559, %add3A_560 : i32
        %dma_start3A_562 = arith.constant 4 : i32
        %dma_start3A_563 = arith.constant 4 : i32
        %dma_start3A_564 = arith.constant 0 : i32
        %dma_start3A_565 = arith.constant 0 : i32
        %dma_start3A_566 = tpu.memref_slice %arg9[%dma_start3A_562, %dma_start3A_564, %dma_start3A_565] : memref<6x128x64xf32, #tpu.memory_space<vmem>> -> memref<1x128x64xf32, #tpu.memory_space<vmem>>
        %dma_start3A_567 = tpu.memref_squeeze %dma_start3A_566 : memref<1x128x64xf32, #tpu.memory_space<vmem>> -> memref<128x64xf32, #tpu.memory_space<vmem>>
        %dma_start3A_568 = arith.constant 0 : i32
        %dma_start3A_569 = tpu.memref_slice %arg7[%add3A_561, %dma_start3A_568] : memref<157x128xi32, #tpu.memory_space<vmem>> -> memref<1x128xi32, #tpu.memory_space<vmem>>
        %dma_start3A_570 = tpu.memref_squeeze %dma_start3A_569 : memref<1x128xi32, #tpu.memory_space<vmem>> -> memref<128xi32, #tpu.memory_space<vmem>>
        %dma_start3A_571 = arith.constant 0 : i32
        %dma_start3A_572 = arith.constant 0 : i32
        %dma_start3A_573 = tpu.memref_slice %arg4[%arg0, %dma_start3A_571, %dma_start3A_572] : memref<2x10000x64xf32, #tpu.memory_space<hbm>> -> memref<1x10000x64xf32, #tpu.memory_space<hbm>>
        %dma_start3A_574 = tpu.memref_squeeze %dma_start3A_573 : memref<1x10000x64xf32, #tpu.memory_space<hbm>> -> memref<10000x64xf32, #tpu.memory_space<hbm>>
        %dma_start3A_575 = arith.constant 0 : i32
        %dma_start3A_576 = arith.constant 0 : i32
        %dma_start3A_577 = tpu.memref_slice %dma_start3A_574[%dma_start3A_575, %dma_start3A_576] : memref<10000x64xf32, #tpu.memory_space<hbm>> -> memref<10000x64xf32, #tpu.memory_space<hbm>>
        %dma_start3A_578 = tpu.memref_slice %arg11[%dma_start3A_563] : memref<6x!tpu.dma_semaphore, #tpu.memory_space<semaphore_mem>> -> memref<1x!tpu.dma_semaphore, #tpu.memory_space<semaphore_mem>>
        %dma_start3A_579 = tpu.memref_squeeze %dma_start3A_578 : memref<1x!tpu.dma_semaphore, #tpu.memory_space<semaphore_mem>> -> memref<!tpu.dma_semaphore, #tpu.memory_space<semaphore_mem>>
        tpu.enqueue_indirect_dma source(%dma_start3A_577 : memref<10000x64xf32, #tpu.memory_space<hbm>>) target(%dma_start3A_567 : memref<128x64xf32, #tpu.memory_space<vmem>>) offsets(%dma_start3A_570 : memref<128xi32, #tpu.memory_space<vmem>>) semaphore(%dma_start3A_579 : memref<!tpu.dma_semaphore, #tpu.memory_space<semaphore_mem>>)
      } else {
      }
      %add3A_533 = arith.constant 5 : i32
      %add3A_534 = arith.addi %mul3A_195, %add3A_533 : i32
      %dma_wait3A_535 = arith.constant 5 : i32
      %dma_wait3A_536 = arith.constant 5 : i32
      %dma_wait3A_537 = arith.constant 0 : i32
      %dma_wait3A_538 = arith.constant 0 : i32
      %dma_wait3A_539 = tpu.memref_slice %arg9[%dma_wait3A_535, %dma_wait3A_537, %dma_wait3A_538] : memref<6x128x64xf32, #tpu.memory_space<vmem>> -> memref<1x128x64xf32, #tpu.memory_space<vmem>>
      %dma_wait3A_540 = tpu.memref_squeeze %dma_wait3A_539 : memref<1x128x64xf32, #tpu.memory_space<vmem>> -> memref<128x64xf32, #tpu.memory_space<vmem>>
      %dma_wait3A_541 = arith.constant 0 : i32
      %dma_wait3A_542 = tpu.memref_slice %arg8[%add3A_534, %dma_wait3A_541] : memref<157x128xi32, #tpu.memory_space<vmem>> -> memref<1x128xi32, #tpu.memory_space<vmem>>
      %dma_wait3A_543 = tpu.memref_squeeze %dma_wait3A_542 : memref<1x128xi32, #tpu.memory_space<vmem>> -> memref<128xi32, #tpu.memory_space<vmem>>
      %dma_wait3A_544 = arith.constant 0 : i32
      %dma_wait3A_545 = arith.constant 0 : i32
      %dma_wait3A_546 = tpu.memref_slice %arg10[%dma_wait3A_544, %dma_wait3A_545] : memref<10240x64xf32, #tpu.memory_space<vmem_shared>> -> memref<10240x64xf32, #tpu.memory_space<vmem_shared>>
      %dma_wait3A_547 = tpu.memref_slice %arg12[%dma_wait3A_536] : memref<6x!tpu.dma_semaphore, #tpu.memory_space<semaphore_mem>> -> memref<1x!tpu.dma_semaphore, #tpu.memory_space<semaphore_mem>>
      %dma_wait3A_548 = tpu.memref_squeeze %dma_wait3A_547 : memref<1x!tpu.dma_semaphore, #tpu.memory_space<semaphore_mem>> -> memref<!tpu.dma_semaphore, #tpu.memory_space<semaphore_mem>>
      tpu.wait_indirect_dma semaphore(%dma_wait3A_548 : memref<!tpu.dma_semaphore, #tpu.memory_space<semaphore_mem>>) src(%dma_wait3A_540 : memref<128x64xf32, #tpu.memory_space<vmem>>) dst(%dma_wait3A_546 : memref<10240x64xf32, #tpu.memory_space<vmem_shared>>)
      %add3A_549 = arith.constant 6 : i32
      %add3A_550 = arith.addi %mul3A_195, %add3A_549 : i32
      %add3A_551 = arith.constant 5 : i32
      %add3A_552 = arith.addi %add3A_550, %add3A_551 : i32
      %lt3A_553 = arith.constant 156 : i32
      %lt3A_554 = arith.cmpi slt, %add3A_552, %lt3A_553 : i32
      %convert_element_type3A_555 = arith.extui %lt3A_554 : i1 to i32
      %cond3A_556 = arith.constant 0 : i32
      %cond3A_557 = arith.cmpi ne, %convert_element_type3A_555, %cond3A_556 : i32
      scf.if %cond3A_557 {
        %add3A_558 = arith.constant 6 : i32
        %add3A_559 = arith.addi %mul3A_195, %add3A_558 : i32
        %add3A_560 = arith.constant 5 : i32
        %add3A_561 = arith.addi %add3A_559, %add3A_560 : i32
        %dma_start3A_562 = arith.constant 5 : i32
        %dma_start3A_563 = arith.constant 5 : i32
        %dma_start3A_564 = arith.constant 0 : i32
        %dma_start3A_565 = arith.constant 0 : i32
        %dma_start3A_566 = tpu.memref_slice %arg9[%dma_start3A_562, %dma_start3A_564, %dma_start3A_565] : memref<6x128x64xf32, #tpu.memory_space<vmem>> -> memref<1x128x64xf32, #tpu.memory_space<vmem>>
        %dma_start3A_567 = tpu.memref_squeeze %dma_start3A_566 : memref<1x128x64xf32, #tpu.memory_space<vmem>> -> memref<128x64xf32, #tpu.memory_space<vmem>>
        %dma_start3A_568 = arith.constant 0 : i32
        %dma_start3A_569 = tpu.memref_slice %arg7[%add3A_561, %dma_start3A_568] : memref<157x128xi32, #tpu.memory_space<vmem>> -> memref<1x128xi32, #tpu.memory_space<vmem>>
        %dma_start3A_570 = tpu.memref_squeeze %dma_start3A_569 : memref<1x128xi32, #tpu.memory_space<vmem>> -> memref<128xi32, #tpu.memory_space<vmem>>
        %dma_start3A_571 = arith.constant 0 : i32
        %dma_start3A_572 = arith.constant 0 : i32
        %dma_start3A_573 = tpu.memref_slice %arg4[%arg0, %dma_start3A_571, %dma_start3A_572] : memref<2x10000x64xf32, #tpu.memory_space<hbm>> -> memref<1x10000x64xf32, #tpu.memory_space<hbm>>
        %dma_start3A_574 = tpu.memref_squeeze %dma_start3A_573 : memref<1x10000x64xf32, #tpu.memory_space<hbm>> -> memref<10000x64xf32, #tpu.memory_space<hbm>>
        %dma_start3A_575 = arith.constant 0 : i32
        %dma_start3A_576 = arith.constant 0 : i32
        %dma_start3A_577 = tpu.memref_slice %dma_start3A_574[%dma_start3A_575, %dma_start3A_576] : memref<10000x64xf32, #tpu.memory_space<hbm>> -> memref<10000x64xf32, #tpu.memory_space<hbm>>
        %dma_start3A_578 = tpu.memref_slice %arg11[%dma_start3A_563] : memref<6x!tpu.dma_semaphore, #tpu.memory_space<semaphore_mem>> -> memref<1x!tpu.dma_semaphore, #tpu.memory_space<semaphore_mem>>
        %dma_start3A_579 = tpu.memref_squeeze %dma_start3A_578 : memref<1x!tpu.dma_semaphore, #tpu.memory_space<semaphore_mem>> -> memref<!tpu.dma_semaphore, #tpu.memory_space<semaphore_mem>>
        tpu.enqueue_indirect_dma source(%dma_start3A_577 : memref<10000x64xf32, #tpu.memory_space<hbm>>) target(%dma_start3A_567 : memref<128x64xf32, #tpu.memory_space<vmem>>) offsets(%dma_start3A_570 : memref<128xi32, #tpu.memory_space<vmem>>) semaphore(%dma_start3A_579 : memref<!tpu.dma_semaphore, #tpu.memory_space<semaphore_mem>>)
      } else {
      }
    }
    %scan3A_120 = arith.constant 26 : i32
    %dma_start3A_121 = arith.constant 156 : i32
    %dma_start3A_122 = arith.constant 0 : i32
    %dma_start3A_123 = arith.constant 0 : i32
    %dma_start3A_124 = arith.constant 0 : i32
    %dma_start3A_125 = arith.constant 0 : i32
    %dma_start3A_126 = tpu.memref_slice %arg9[%dma_start3A_122, %dma_start3A_124, %dma_start3A_125] : memref<6x128x64xf32, #tpu.memory_space<vmem>> -> memref<1x128x64xf32, #tpu.memory_space<vmem>>
    %dma_start3A_127 = tpu.memref_squeeze %dma_start3A_126 : memref<1x128x64xf32, #tpu.memory_space<vmem>> -> memref<128x64xf32, #tpu.memory_space<vmem>>
    %dma_start3A_128 = arith.constant 0 : i32
    %dma_start3A_129 = tpu.memref_slice %arg7[%dma_start3A_121, %dma_start3A_128] : memref<157x128xi32, #tpu.memory_space<vmem>> -> memref<1x128xi32, #tpu.memory_space<vmem>>
    %dma_start3A_130 = tpu.memref_squeeze %dma_start3A_129 : memref<1x128xi32, #tpu.memory_space<vmem>> -> memref<128xi32, #tpu.memory_space<vmem>>
    %dma_start3A_131 = arith.constant 0 : i32
    %dma_start3A_132 = arith.constant 0 : i32
    %dma_start3A_133 = tpu.memref_slice %arg4[%arg0, %dma_start3A_131, %dma_start3A_132] : memref<2x10000x64xf32, #tpu.memory_space<hbm>> -> memref<1x10000x64xf32, #tpu.memory_space<hbm>>
    %dma_start3A_134 = tpu.memref_squeeze %dma_start3A_133 : memref<1x10000x64xf32, #tpu.memory_space<hbm>> -> memref<10000x64xf32, #tpu.memory_space<hbm>>
    %dma_start3A_135 = arith.constant 0 : i32
    %dma_start3A_136 = arith.constant 0 : i32
    %dma_start3A_137 = tpu.memref_slice %dma_start3A_134[%dma_start3A_135, %dma_start3A_136] : memref<10000x64xf32, #tpu.memory_space<hbm>> -> memref<10000x64xf32, #tpu.memory_space<hbm>>
    %dma_start3A_138 = tpu.memref_slice %arg11[%dma_start3A_123] : memref<6x!tpu.dma_semaphore, #tpu.memory_space<semaphore_mem>> -> memref<1x!tpu.dma_semaphore, #tpu.memory_space<semaphore_mem>>
    %dma_start3A_139 = tpu.memref_squeeze %dma_start3A_138 : memref<1x!tpu.dma_semaphore, #tpu.memory_space<semaphore_mem>> -> memref<!tpu.dma_semaphore, #tpu.memory_space<semaphore_mem>>
    tpu.enqueue_indirect_dma source(%dma_start3A_137 : memref<10000x64xf32, #tpu.memory_space<hbm>>) target(%dma_start3A_127 : memref<128x64xf32, #tpu.memory_space<vmem>>) offsets(%dma_start3A_130 : memref<128xi32, #tpu.memory_space<vmem>>) semaphore(%dma_start3A_139 : memref<!tpu.dma_semaphore, #tpu.memory_space<semaphore_mem>>)
    %dma_wait3A = arith.constant 156 : i32
    %dma_wait3A_140 = arith.constant 0 : i32
    %dma_wait3A_141 = arith.constant 0 : i32
    %dma_wait3A_142 = arith.constant 0 : i32
    %dma_wait3A_143 = arith.constant 0 : i32
    %dma_wait3A_144 = tpu.memref_slice %arg9[%dma_wait3A_140, %dma_wait3A_142, %dma_wait3A_143] : memref<6x128x64xf32, #tpu.memory_space<vmem>> -> memref<1x128x64xf32, #tpu.memory_space<vmem>>
    %dma_wait3A_145 = tpu.memref_squeeze %dma_wait3A_144 : memref<1x128x64xf32, #tpu.memory_space<vmem>> -> memref<128x64xf32, #tpu.memory_space<vmem>>
    %dma_wait3A_146 = arith.constant 0 : i32
    %dma_wait3A_147 = tpu.memref_slice %arg7[%dma_wait3A, %dma_wait3A_146] : memref<157x128xi32, #tpu.memory_space<vmem>> -> memref<1x128xi32, #tpu.memory_space<vmem>>
    %dma_wait3A_148 = tpu.memref_squeeze %dma_wait3A_147 : memref<1x128xi32, #tpu.memory_space<vmem>> -> memref<128xi32, #tpu.memory_space<vmem>>
    %dma_wait3A_149 = arith.constant 0 : i32
    %dma_wait3A_150 = arith.constant 0 : i32
    %dma_wait3A_151 = tpu.memref_slice %arg4[%arg0, %dma_wait3A_149, %dma_wait3A_150] : memref<2x10000x64xf32, #tpu.memory_space<hbm>> -> memref<1x10000x64xf32, #tpu.memory_space<hbm>>
    %dma_wait3A_152 = tpu.memref_squeeze %dma_wait3A_151 : memref<1x10000x64xf32, #tpu.memory_space<hbm>> -> memref<10000x64xf32, #tpu.memory_space<hbm>>
    %dma_wait3A_153 = arith.constant 0 : i32
    %dma_wait3A_154 = arith.constant 0 : i32
    %dma_wait3A_155 = tpu.memref_slice %dma_wait3A_152[%dma_wait3A_153, %dma_wait3A_154] : memref<10000x64xf32, #tpu.memory_space<hbm>> -> memref<10000x64xf32, #tpu.memory_space<hbm>>
    %dma_wait3A_156 = tpu.memref_slice %arg11[%dma_wait3A_141] : memref<6x!tpu.dma_semaphore, #tpu.memory_space<semaphore_mem>> -> memref<1x!tpu.dma_semaphore, #tpu.memory_space<semaphore_mem>>
    %dma_wait3A_157 = tpu.memref_squeeze %dma_wait3A_156 : memref<1x!tpu.dma_semaphore, #tpu.memory_space<semaphore_mem>> -> memref<!tpu.dma_semaphore, #tpu.memory_space<semaphore_mem>>
    tpu.wait_indirect_dma semaphore(%dma_wait3A_157 : memref<!tpu.dma_semaphore, #tpu.memory_space<semaphore_mem>>) src(%dma_wait3A_155 : memref<10000x64xf32, #tpu.memory_space<hbm>>) dst(%dma_wait3A_145 : memref<128x64xf32, #tpu.memory_space<vmem>>)
    %dma_start3A_158 = arith.constant 0 : i32
    %dma_start3A_159 = arith.constant 156 : i32
    %dma_start3A_160 = arith.constant 0 : i32
    %dma_start3A_161 = arith.constant 0 : i32
    %dma_start3A_162 = arith.constant 0 : i32
    %dma_start3A_163 = tpu.memref_slice %arg9[%dma_start3A_158, %dma_start3A_161, %dma_start3A_162] : memref<6x128x64xf32, #tpu.memory_space<vmem>> -> memref<1x128x64xf32, #tpu.memory_space<vmem>>
    %dma_start3A_164 = tpu.memref_squeeze %dma_start3A_163 : memref<1x128x64xf32, #tpu.memory_space<vmem>> -> memref<128x64xf32, #tpu.memory_space<vmem>>
    %dma_start3A_165 = arith.constant 0 : i32
    %dma_start3A_166 = tpu.memref_slice %arg8[%dma_start3A_159, %dma_start3A_165] : memref<157x128xi32, #tpu.memory_space<vmem>> -> memref<1x128xi32, #tpu.memory_space<vmem>>
    %dma_start3A_167 = tpu.memref_squeeze %dma_start3A_166 : memref<1x128xi32, #tpu.memory_space<vmem>> -> memref<128xi32, #tpu.memory_space<vmem>>
    %dma_start3A_168 = arith.constant 0 : i32
    %dma_start3A_169 = arith.constant 0 : i32
    %dma_start3A_170 = tpu.memref_slice %arg10[%dma_start3A_168, %dma_start3A_169] : memref<10240x64xf32, #tpu.memory_space<vmem_shared>> -> memref<10240x64xf32, #tpu.memory_space<vmem_shared>>
    %dma_start3A_171 = tpu.memref_slice %arg12[%dma_start3A_160] : memref<6x!tpu.dma_semaphore, #tpu.memory_space<semaphore_mem>> -> memref<1x!tpu.dma_semaphore, #tpu.memory_space<semaphore_mem>>
    %dma_start3A_172 = tpu.memref_squeeze %dma_start3A_171 : memref<1x!tpu.dma_semaphore, #tpu.memory_space<semaphore_mem>> -> memref<!tpu.dma_semaphore, #tpu.memory_space<semaphore_mem>>
    tpu.enqueue_indirect_dma source(%dma_start3A_164 : memref<128x64xf32, #tpu.memory_space<vmem>>) target(%dma_start3A_170 : memref<10240x64xf32, #tpu.memory_space<vmem_shared>>) offsets(%dma_start3A_167 : memref<128xi32, #tpu.memory_space<vmem>>) semaphore(%dma_start3A_172 : memref<!tpu.dma_semaphore, #tpu.memory_space<semaphore_mem>>) {add = true}
    %dma_wait3A_173 = arith.constant 0 : i32
    %dma_wait3A_174 = arith.constant 156 : i32
    %dma_wait3A_175 = arith.constant 0 : i32
    %dma_wait3A_176 = arith.constant 0 : i32
    %dma_wait3A_177 = arith.constant 0 : i32
    %dma_wait3A_178 = tpu.memref_slice %arg9[%dma_wait3A_173, %dma_wait3A_176, %dma_wait3A_177] : memref<6x128x64xf32, #tpu.memory_space<vmem>> -> memref<1x128x64xf32, #tpu.memory_space<vmem>>
    %dma_wait3A_179 = tpu.memref_squeeze %dma_wait3A_178 : memref<1x128x64xf32, #tpu.memory_space<vmem>> -> memref<128x64xf32, #tpu.memory_space<vmem>>
    %dma_wait3A_180 = arith.constant 0 : i32
    %dma_wait3A_181 = tpu.memref_slice %arg8[%dma_wait3A_174, %dma_wait3A_180] : memref<157x128xi32, #tpu.memory_space<vmem>> -> memref<1x128xi32, #tpu.memory_space<vmem>>
    %dma_wait3A_182 = tpu.memref_squeeze %dma_wait3A_181 : memref<1x128xi32, #tpu.memory_space<vmem>> -> memref<128xi32, #tpu.memory_space<vmem>>
    %dma_wait3A_183 = arith.constant 0 : i32
    %dma_wait3A_184 = arith.constant 0 : i32
    %dma_wait3A_185 = tpu.memref_slice %arg10[%dma_wait3A_183, %dma_wait3A_184] : memref<10240x64xf32, #tpu.memory_space<vmem_shared>> -> memref<10240x64xf32, #tpu.memory_space<vmem_shared>>
    %dma_wait3A_186 = tpu.memref_slice %arg12[%dma_wait3A_175] : memref<6x!tpu.dma_semaphore, #tpu.memory_space<semaphore_mem>> -> memref<1x!tpu.dma_semaphore, #tpu.memory_space<semaphore_mem>>
    %dma_wait3A_187 = tpu.memref_squeeze %dma_wait3A_186 : memref<1x!tpu.dma_semaphore, #tpu.memory_space<semaphore_mem>> -> memref<!tpu.dma_semaphore, #tpu.memory_space<semaphore_mem>>
    tpu.wait_indirect_dma semaphore(%dma_wait3A_187 : memref<!tpu.dma_semaphore, #tpu.memory_space<semaphore_mem>>) src(%dma_wait3A_179 : memref<128x64xf32, #tpu.memory_space<vmem>>) dst(%dma_wait3A_185 : memref<10240x64xf32, #tpu.memory_space<vmem_shared>>)
    %barrier3A_188 = arith.constant 0 : index
    tpu.barrier barrier_id(%barrier3A_188)
    %mul3A_189 = arith.constant 640 : i32
    %mul3A_190 = arith.muli %arg1, %mul3A_189 : i32
    %mul3A_191 = arith.constant 640 : i32
    %mul3A_192 = arith.muli %arg1, %mul3A_191 : i32
    "tpu.region"() ({
      %run_scoped3A = tpu.sem_alloc : memref<!tpu.dma_semaphore, #tpu.memory_space<semaphore_mem>>
      %dma_start3A_193 = arith.constant 0 : i32
      %dma_start3A_194 = tpu.memref_slice %arg6[%arg0, %mul3A_192, %dma_start3A_193] : memref<2x10240x64xf32, #tpu.memory_space<hbm>> -> memref<1x640x64xf32, #tpu.memory_space<hbm>>
      %dma_start3A_195 = tpu.memref_squeeze %dma_start3A_194 : memref<1x640x64xf32, #tpu.memory_space<hbm>> -> memref<640x64xf32, #tpu.memory_space<hbm>>
      %dma_start3A_196 = arith.constant 0 : i32
      %dma_start3A_197 = tpu.memref_slice %arg10[%mul3A_190, %dma_start3A_196] : memref<10240x64xf32, #tpu.memory_space<vmem_shared>> -> memref<640x64xf32, #tpu.memory_space<vmem_shared>>
      tpu.enqueue_dma source(%dma_start3A_197 : memref<640x64xf32, #tpu.memory_space<vmem_shared>>) target(%dma_start3A_195 : memref<640x64xf32, #tpu.memory_space<hbm>>) target_semaphore(%run_scoped3A : memref<!tpu.dma_semaphore, #tpu.memory_space<semaphore_mem>>)
      %dma_wait3A_198 = arith.constant 0 : i32
      %dma_wait3A_199 = tpu.memref_slice %arg6[%arg0, %mul3A_192, %dma_wait3A_198] : memref<2x10240x64xf32, #tpu.memory_space<hbm>> -> memref<1x640x64xf32, #tpu.memory_space<hbm>>
      %dma_wait3A_200 = tpu.memref_squeeze %dma_wait3A_199 : memref<1x640x64xf32, #tpu.memory_space<hbm>> -> memref<640x64xf32, #tpu.memory_space<hbm>>
      %dma_wait3A_201 = arith.constant 0 : i32
      %dma_wait3A_202 = tpu.memref_slice %arg10[%mul3A_190, %dma_wait3A_201] : memref<10240x64xf32, #tpu.memory_space<vmem_shared>> -> memref<640x64xf32, #tpu.memory_space<vmem_shared>>
      tpu.wait_dma2 semaphore(%run_scoped3A : memref<!tpu.dma_semaphore, #tpu.memory_space<semaphore_mem>>) src(%dma_wait3A_202 : memref<640x64xf32, #tpu.memory_space<vmem_shared>>) dst(%dma_wait3A_200 : memref<640x64xf32, #tpu.memory_space<hbm>>)
      tpu.yield
    }) : () -> ()
    return
  }
}

#map = affine_map<(d0, d1) -> (0, 0, 0)>
#map1 = affine_map<(d0, d1) -> (0, 0)>
module attributes {stable_mosaic.version = 14 : i64} {
  func.func @_deg_body(%arg0: i32, %arg1: i32, %arg2: memref<32x80x128xi32, #tpu.memory_space<hbm>>, %arg3: memref<10240x16xf32, #tpu.memory_space<hbm>>, %arg4: memref<2x10240x16xf32, #tpu.memory_space<hbm>>, %arg5: memref<80x128xi32, #tpu.memory_space<vmem>>, %arg6: memref<128x16xf32, #tpu.memory_space<vmem>>, %arg7: memref<10240x16xf32, #tpu.memory_space<vmem_shared>>, %arg8: memref<!tpu.dma_semaphore, #tpu.memory_space<semaphore_mem>>) attributes {dimension_semantics = [#tpu.dimension_semantics<core_parallel>, #tpu.dimension_semantics<subcore_parallel>], iteration_bounds = array<i64: 2, 16>, scalar_prefetch = 0 : i64, scratch_operands = 4 : i64, tpu.core_type = #tpu.core_type<sc_vector_subcore>, window_params = [{transform_indices = #map}, {transform_indices = #map1}, {transform_indices = #map}]} {
    %mul3A = arith.constant 16 : i32
    %mul3A_0 = arith.muli %arg0, %mul3A : i32
    %add3A = arith.addi %mul3A_0, %arg1 : i32
    "tpu.region"() ({
      %run_scoped3A = tpu.sem_alloc : memref<!tpu.dma_semaphore, #tpu.memory_space<semaphore_mem>>
      %dma_start3A = arith.constant 0 : i32
      %dma_start3A_22 = arith.constant 0 : i32
      %dma_start3A_23 = tpu.memref_slice %arg2[%add3A, %dma_start3A, %dma_start3A_22] : memref<32x80x128xi32, #tpu.memory_space<hbm>> -> memref<1x80x128xi32, #tpu.memory_space<hbm>>
      %dma_start3A_24 = tpu.memref_squeeze %dma_start3A_23 : memref<1x80x128xi32, #tpu.memory_space<hbm>> -> memref<80x128xi32, #tpu.memory_space<hbm>>
      %dma_start3A_25 = arith.constant 0 : i32
      %dma_start3A_26 = arith.constant 0 : i32
      %dma_start3A_27 = tpu.memref_slice %arg2[%add3A, %dma_start3A_25, %dma_start3A_26] : memref<32x80x128xi32, #tpu.memory_space<hbm>> -> memref<1x80x128xi32, #tpu.memory_space<hbm>>
      %dma_start3A_28 = tpu.memref_squeeze %dma_start3A_27 : memref<1x80x128xi32, #tpu.memory_space<hbm>> -> memref<80x128xi32, #tpu.memory_space<hbm>>
      tpu.enqueue_dma source(%dma_start3A_28 : memref<80x128xi32, #tpu.memory_space<hbm>>) target(%arg5 : memref<80x128xi32, #tpu.memory_space<vmem>>) target_semaphore(%run_scoped3A : memref<!tpu.dma_semaphore, #tpu.memory_space<semaphore_mem>>)
      %dma_wait3A = arith.constant 0 : i32
      %dma_wait3A_29 = arith.constant 0 : i32
      %dma_wait3A_30 = tpu.memref_slice %arg2[%add3A, %dma_wait3A, %dma_wait3A_29] : memref<32x80x128xi32, #tpu.memory_space<hbm>> -> memref<1x80x128xi32, #tpu.memory_space<hbm>>
      %dma_wait3A_31 = tpu.memref_squeeze %dma_wait3A_30 : memref<1x80x128xi32, #tpu.memory_space<hbm>> -> memref<80x128xi32, #tpu.memory_space<hbm>>
      %dma_wait3A_32 = arith.constant 0 : i32
      %dma_wait3A_33 = arith.constant 0 : i32
      %dma_wait3A_34 = tpu.memref_slice %arg2[%add3A, %dma_wait3A_32, %dma_wait3A_33] : memref<32x80x128xi32, #tpu.memory_space<hbm>> -> memref<1x80x128xi32, #tpu.memory_space<hbm>>
      %dma_wait3A_35 = tpu.memref_squeeze %dma_wait3A_34 : memref<1x80x128xi32, #tpu.memory_space<hbm>> -> memref<80x128xi32, #tpu.memory_space<hbm>>
      tpu.wait_dma2 semaphore(%run_scoped3A : memref<!tpu.dma_semaphore, #tpu.memory_space<semaphore_mem>>) src(%dma_wait3A_35 : memref<80x128xi32, #tpu.memory_space<hbm>>) dst(%arg5 : memref<80x128xi32, #tpu.memory_space<vmem>>)
      tpu.yield
    }) : () -> ()
    %mul3A_1 = arith.constant 640 : i32
    %mul3A_2 = arith.muli %arg1, %mul3A_1 : i32
    %mul3A_3 = arith.constant 640 : i32
    %mul3A_4 = arith.muli %arg1, %mul3A_3 : i32
    "tpu.region"() ({
      %run_scoped3A = tpu.sem_alloc : memref<!tpu.dma_semaphore, #tpu.memory_space<semaphore_mem>>
      %dma_start3A = arith.constant 0 : i32
      %dma_start3A_22 = tpu.memref_slice %arg7[%mul3A_4, %dma_start3A] : memref<10240x16xf32, #tpu.memory_space<vmem_shared>> -> memref<640x16xf32, #tpu.memory_space<vmem_shared>>
      %dma_start3A_23 = arith.constant 0 : i32
      %dma_start3A_24 = tpu.memref_slice %arg3[%mul3A_2, %dma_start3A_23] : memref<10240x16xf32, #tpu.memory_space<hbm>> -> memref<640x16xf32, #tpu.memory_space<hbm>>
      tpu.enqueue_dma source(%dma_start3A_24 : memref<640x16xf32, #tpu.memory_space<hbm>>) target(%dma_start3A_22 : memref<640x16xf32, #tpu.memory_space<vmem_shared>>) target_semaphore(%run_scoped3A : memref<!tpu.dma_semaphore, #tpu.memory_space<semaphore_mem>>)
      %dma_wait3A = arith.constant 0 : i32
      %dma_wait3A_25 = tpu.memref_slice %arg7[%mul3A_4, %dma_wait3A] : memref<10240x16xf32, #tpu.memory_space<vmem_shared>> -> memref<640x16xf32, #tpu.memory_space<vmem_shared>>
      %dma_wait3A_26 = arith.constant 0 : i32
      %dma_wait3A_27 = tpu.memref_slice %arg3[%mul3A_2, %dma_wait3A_26] : memref<10240x16xf32, #tpu.memory_space<hbm>> -> memref<640x16xf32, #tpu.memory_space<hbm>>
      tpu.wait_dma2 semaphore(%run_scoped3A : memref<!tpu.dma_semaphore, #tpu.memory_space<semaphore_mem>>) src(%dma_wait3A_27 : memref<640x16xf32, #tpu.memory_space<hbm>>) dst(%dma_wait3A_25 : memref<640x16xf32, #tpu.memory_space<vmem_shared>>)
      tpu.yield
    }) : () -> ()
    %broadcast_in_dim3A = arith.constant 1.000000e+00 : f32
    %broadcast_in_dim3A_5 = vector.broadcast %broadcast_in_dim3A : f32 to vector<16xf32>
    %scan3A = arith.constant 0 : i32
    %scan3A_6 = arith.constant 0 : i32
    %scan3A_7 = arith.constant 128 : i32
    %scan3A_8 = arith.addi %scan3A_6, %scan3A_7 : i32
    %scan3A_9 = arith.constant 1 : i32
    scf.for %scan3A_22 = %scan3A_6 to %scan3A_8 step %scan3A_9  : i32 {
      %swap3A = arith.index_cast %scan3A_22 : i32 to index
      %swap3A_23 = arith.constant 0 : index
      %swap3A_24 = tpu.vector_load %arg6[%swap3A, %swap3A_23] {strides = array<i32>} : memref<128x16xf32, #tpu.memory_space<vmem>>, vector<1x16xf32>,
      %swap3A_25 = vector.shape_cast %swap3A_24 : vector<1x16xf32> to vector<16xf32>
      %swap3A_26 = vector.shape_cast %broadcast_in_dim3A_5 : vector<16xf32> to vector<1x16xf32>
      tpu.vector_store %arg6[%swap3A, %swap3A_23], %swap3A_26 {strides = array<i32>} : memref<128x16xf32, #tpu.memory_space<vmem>>, vector<1x16xf32>,
    }
    %scan3A_10 = arith.constant 128 : i32
    %barrier3A = arith.constant 0 : index
    tpu.barrier barrier_id(%barrier3A)
    %scan3A_11 = arith.constant 0 : i32
    %scan3A_12 = arith.constant 0 : i32
    %scan3A_13 = arith.constant 10 : i32
    %scan3A_14 = arith.addi %scan3A_12, %scan3A_13 : i32
    %scan3A_15 = arith.constant 1 : i32
    scf.for %scan3A_22 = %scan3A_12 to %scan3A_14 step %scan3A_15  : i32 {
      %mul3A_23 = arith.constant 8 : i32
      %mul3A_24 = arith.muli %scan3A_22, %mul3A_23 : i32
      %add3A_25 = arith.constant 0 : i32
      %add3A_26 = arith.addi %mul3A_24, %add3A_25 : i32
      %dma_start3A = arith.constant 0 : i32
      %dma_start3A_27 = tpu.memref_slice %arg5[%add3A_26, %dma_start3A] : memref<80x128xi32, #tpu.memory_space<vmem>> -> memref<1x128xi32, #tpu.memory_space<vmem>>
      %dma_start3A_28 = tpu.memref_squeeze %dma_start3A_27 : memref<1x128xi32, #tpu.memory_space<vmem>> -> memref<128xi32, #tpu.memory_space<vmem>>
      %dma_start3A_29 = arith.constant 0 : i32
      %dma_start3A_30 = arith.constant 0 : i32
      %dma_start3A_31 = tpu.memref_slice %arg7[%dma_start3A_29, %dma_start3A_30] : memref<10240x16xf32, #tpu.memory_space<vmem_shared>> -> memref<10240x16xf32, #tpu.memory_space<vmem_shared>>
      tpu.enqueue_indirect_dma source(%arg6 : memref<128x16xf32, #tpu.memory_space<vmem>>) target(%dma_start3A_31 : memref<10240x16xf32, #tpu.memory_space<vmem_shared>>) offsets(%dma_start3A_28 : memref<128xi32, #tpu.memory_space<vmem>>) semaphore(%arg8 : memref<!tpu.dma_semaphore, #tpu.memory_space<semaphore_mem>>) {add = true}
      %add3A_32 = arith.constant 1 : i32
      %add3A_33 = arith.addi %mul3A_24, %add3A_32 : i32
      %dma_start3A_34 = arith.constant 0 : i32
      %dma_start3A_35 = tpu.memref_slice %arg5[%add3A_33, %dma_start3A_34] : memref<80x128xi32, #tpu.memory_space<vmem>> -> memref<1x128xi32, #tpu.memory_space<vmem>>
      %dma_start3A_36 = tpu.memref_squeeze %dma_start3A_35 : memref<1x128xi32, #tpu.memory_space<vmem>> -> memref<128xi32, #tpu.memory_space<vmem>>
      %dma_start3A_37 = arith.constant 0 : i32
      %dma_start3A_38 = arith.constant 0 : i32
      %dma_start3A_39 = tpu.memref_slice %arg7[%dma_start3A_37, %dma_start3A_38] : memref<10240x16xf32, #tpu.memory_space<vmem_shared>> -> memref<10240x16xf32, #tpu.memory_space<vmem_shared>>
      tpu.enqueue_indirect_dma source(%arg6 : memref<128x16xf32, #tpu.memory_space<vmem>>) target(%dma_start3A_39 : memref<10240x16xf32, #tpu.memory_space<vmem_shared>>) offsets(%dma_start3A_36 : memref<128xi32, #tpu.memory_space<vmem>>) semaphore(%arg8 : memref<!tpu.dma_semaphore, #tpu.memory_space<semaphore_mem>>) {add = true}
      %add3A_40 = arith.constant 2 : i32
      %add3A_41 = arith.addi %mul3A_24, %add3A_40 : i32
      %dma_start3A_42 = arith.constant 0 : i32
      %dma_start3A_43 = tpu.memref_slice %arg5[%add3A_41, %dma_start3A_42] : memref<80x128xi32, #tpu.memory_space<vmem>> -> memref<1x128xi32, #tpu.memory_space<vmem>>
      %dma_start3A_44 = tpu.memref_squeeze %dma_start3A_43 : memref<1x128xi32, #tpu.memory_space<vmem>> -> memref<128xi32, #tpu.memory_space<vmem>>
      %dma_start3A_45 = arith.constant 0 : i32
      %dma_start3A_46 = arith.constant 0 : i32
      %dma_start3A_47 = tpu.memref_slice %arg7[%dma_start3A_45, %dma_start3A_46] : memref<10240x16xf32, #tpu.memory_space<vmem_shared>> -> memref<10240x16xf32, #tpu.memory_space<vmem_shared>>
      tpu.enqueue_indirect_dma source(%arg6 : memref<128x16xf32, #tpu.memory_space<vmem>>) target(%dma_start3A_47 : memref<10240x16xf32, #tpu.memory_space<vmem_shared>>) offsets(%dma_start3A_44 : memref<128xi32, #tpu.memory_space<vmem>>) semaphore(%arg8 : memref<!tpu.dma_semaphore, #tpu.memory_space<semaphore_mem>>) {add = true}
      %add3A_48 = arith.constant 3 : i32
      %add3A_49 = arith.addi %mul3A_24, %add3A_48 : i32
      %dma_start3A_50 = arith.constant 0 : i32
      %dma_start3A_51 = tpu.memref_slice %arg5[%add3A_49, %dma_start3A_50] : memref<80x128xi32, #tpu.memory_space<vmem>> -> memref<1x128xi32, #tpu.memory_space<vmem>>
      %dma_start3A_52 = tpu.memref_squeeze %dma_start3A_51 : memref<1x128xi32, #tpu.memory_space<vmem>> -> memref<128xi32, #tpu.memory_space<vmem>>
      %dma_start3A_53 = arith.constant 0 : i32
      %dma_start3A_54 = arith.constant 0 : i32
      %dma_start3A_55 = tpu.memref_slice %arg7[%dma_start3A_53, %dma_start3A_54] : memref<10240x16xf32, #tpu.memory_space<vmem_shared>> -> memref<10240x16xf32, #tpu.memory_space<vmem_shared>>
      tpu.enqueue_indirect_dma source(%arg6 : memref<128x16xf32, #tpu.memory_space<vmem>>) target(%dma_start3A_55 : memref<10240x16xf32, #tpu.memory_space<vmem_shared>>) offsets(%dma_start3A_52 : memref<128xi32, #tpu.memory_space<vmem>>) semaphore(%arg8 : memref<!tpu.dma_semaphore, #tpu.memory_space<semaphore_mem>>) {add = true}
      %add3A_56 = arith.constant 4 : i32
      %add3A_57 = arith.addi %mul3A_24, %add3A_56 : i32
      %dma_start3A_58 = arith.constant 0 : i32
      %dma_start3A_59 = tpu.memref_slice %arg5[%add3A_57, %dma_start3A_58] : memref<80x128xi32, #tpu.memory_space<vmem>> -> memref<1x128xi32, #tpu.memory_space<vmem>>
      %dma_start3A_60 = tpu.memref_squeeze %dma_start3A_59 : memref<1x128xi32, #tpu.memory_space<vmem>> -> memref<128xi32, #tpu.memory_space<vmem>>
      %dma_start3A_61 = arith.constant 0 : i32
      %dma_start3A_62 = arith.constant 0 : i32
      %dma_start3A_63 = tpu.memref_slice %arg7[%dma_start3A_61, %dma_start3A_62] : memref<10240x16xf32, #tpu.memory_space<vmem_shared>> -> memref<10240x16xf32, #tpu.memory_space<vmem_shared>>
      tpu.enqueue_indirect_dma source(%arg6 : memref<128x16xf32, #tpu.memory_space<vmem>>) target(%dma_start3A_63 : memref<10240x16xf32, #tpu.memory_space<vmem_shared>>) offsets(%dma_start3A_60 : memref<128xi32, #tpu.memory_space<vmem>>) semaphore(%arg8 : memref<!tpu.dma_semaphore, #tpu.memory_space<semaphore_mem>>) {add = true}
      %add3A_64 = arith.constant 5 : i32
      %add3A_65 = arith.addi %mul3A_24, %add3A_64 : i32
      %dma_start3A_66 = arith.constant 0 : i32
      %dma_start3A_67 = tpu.memref_slice %arg5[%add3A_65, %dma_start3A_66] : memref<80x128xi32, #tpu.memory_space<vmem>> -> memref<1x128xi32, #tpu.memory_space<vmem>>
      %dma_start3A_68 = tpu.memref_squeeze %dma_start3A_67 : memref<1x128xi32, #tpu.memory_space<vmem>> -> memref<128xi32, #tpu.memory_space<vmem>>
      %dma_start3A_69 = arith.constant 0 : i32
      %dma_start3A_70 = arith.constant 0 : i32
      %dma_start3A_71 = tpu.memref_slice %arg7[%dma_start3A_69, %dma_start3A_70] : memref<10240x16xf32, #tpu.memory_space<vmem_shared>> -> memref<10240x16xf32, #tpu.memory_space<vmem_shared>>
      tpu.enqueue_indirect_dma source(%arg6 : memref<128x16xf32, #tpu.memory_space<vmem>>) target(%dma_start3A_71 : memref<10240x16xf32, #tpu.memory_space<vmem_shared>>) offsets(%dma_start3A_68 : memref<128xi32, #tpu.memory_space<vmem>>) semaphore(%arg8 : memref<!tpu.dma_semaphore, #tpu.memory_space<semaphore_mem>>) {add = true}
      %add3A_72 = arith.constant 6 : i32
      %add3A_73 = arith.addi %mul3A_24, %add3A_72 : i32
      %dma_start3A_74 = arith.constant 0 : i32
      %dma_start3A_75 = tpu.memref_slice %arg5[%add3A_73, %dma_start3A_74] : memref<80x128xi32, #tpu.memory_space<vmem>> -> memref<1x128xi32, #tpu.memory_space<vmem>>
      %dma_start3A_76 = tpu.memref_squeeze %dma_start3A_75 : memref<1x128xi32, #tpu.memory_space<vmem>> -> memref<128xi32, #tpu.memory_space<vmem>>
      %dma_start3A_77 = arith.constant 0 : i32
      %dma_start3A_78 = arith.constant 0 : i32
      %dma_start3A_79 = tpu.memref_slice %arg7[%dma_start3A_77, %dma_start3A_78] : memref<10240x16xf32, #tpu.memory_space<vmem_shared>> -> memref<10240x16xf32, #tpu.memory_space<vmem_shared>>
      tpu.enqueue_indirect_dma source(%arg6 : memref<128x16xf32, #tpu.memory_space<vmem>>) target(%dma_start3A_79 : memref<10240x16xf32, #tpu.memory_space<vmem_shared>>) offsets(%dma_start3A_76 : memref<128xi32, #tpu.memory_space<vmem>>) semaphore(%arg8 : memref<!tpu.dma_semaphore, #tpu.memory_space<semaphore_mem>>) {add = true}
      %add3A_80 = arith.constant 7 : i32
      %add3A_81 = arith.addi %mul3A_24, %add3A_80 : i32
      %dma_start3A_82 = arith.constant 0 : i32
      %dma_start3A_83 = tpu.memref_slice %arg5[%add3A_81, %dma_start3A_82] : memref<80x128xi32, #tpu.memory_space<vmem>> -> memref<1x128xi32, #tpu.memory_space<vmem>>
      %dma_start3A_84 = tpu.memref_squeeze %dma_start3A_83 : memref<1x128xi32, #tpu.memory_space<vmem>> -> memref<128xi32, #tpu.memory_space<vmem>>
      %dma_start3A_85 = arith.constant 0 : i32
      %dma_start3A_86 = arith.constant 0 : i32
      %dma_start3A_87 = tpu.memref_slice %arg7[%dma_start3A_85, %dma_start3A_86] : memref<10240x16xf32, #tpu.memory_space<vmem_shared>> -> memref<10240x16xf32, #tpu.memory_space<vmem_shared>>
      tpu.enqueue_indirect_dma source(%arg6 : memref<128x16xf32, #tpu.memory_space<vmem>>) target(%dma_start3A_87 : memref<10240x16xf32, #tpu.memory_space<vmem_shared>>) offsets(%dma_start3A_84 : memref<128xi32, #tpu.memory_space<vmem>>) semaphore(%arg8 : memref<!tpu.dma_semaphore, #tpu.memory_space<semaphore_mem>>) {add = true}
      %add3A_88 = arith.constant 0 : i32
      %add3A_89 = arith.addi %mul3A_24, %add3A_88 : i32
      %dma_wait3A = arith.constant 0 : i32
      %dma_wait3A_90 = tpu.memref_slice %arg5[%add3A_89, %dma_wait3A] : memref<80x128xi32, #tpu.memory_space<vmem>> -> memref<1x128xi32, #tpu.memory_space<vmem>>
      %dma_wait3A_91 = tpu.memref_squeeze %dma_wait3A_90 : memref<1x128xi32, #tpu.memory_space<vmem>> -> memref<128xi32, #tpu.memory_space<vmem>>
      %dma_wait3A_92 = arith.constant 0 : i32
      %dma_wait3A_93 = arith.constant 0 : i32
      %dma_wait3A_94 = tpu.memref_slice %arg7[%dma_wait3A_92, %dma_wait3A_93] : memref<10240x16xf32, #tpu.memory_space<vmem_shared>> -> memref<10240x16xf32, #tpu.memory_space<vmem_shared>>
      tpu.wait_indirect_dma semaphore(%arg8 : memref<!tpu.dma_semaphore, #tpu.memory_space<semaphore_mem>>) src(%arg6 : memref<128x16xf32, #tpu.memory_space<vmem>>) dst(%dma_wait3A_94 : memref<10240x16xf32, #tpu.memory_space<vmem_shared>>)
      %add3A_95 = arith.constant 1 : i32
      %add3A_96 = arith.addi %mul3A_24, %add3A_95 : i32
      %dma_wait3A_97 = arith.constant 0 : i32
      %dma_wait3A_98 = tpu.memref_slice %arg5[%add3A_96, %dma_wait3A_97] : memref<80x128xi32, #tpu.memory_space<vmem>> -> memref<1x128xi32, #tpu.memory_space<vmem>>
      %dma_wait3A_99 = tpu.memref_squeeze %dma_wait3A_98 : memref<1x128xi32, #tpu.memory_space<vmem>> -> memref<128xi32, #tpu.memory_space<vmem>>
      %dma_wait3A_100 = arith.constant 0 : i32
      %dma_wait3A_101 = arith.constant 0 : i32
      %dma_wait3A_102 = tpu.memref_slice %arg7[%dma_wait3A_100, %dma_wait3A_101] : memref<10240x16xf32, #tpu.memory_space<vmem_shared>> -> memref<10240x16xf32, #tpu.memory_space<vmem_shared>>
      tpu.wait_indirect_dma semaphore(%arg8 : memref<!tpu.dma_semaphore, #tpu.memory_space<semaphore_mem>>) src(%arg6 : memref<128x16xf32, #tpu.memory_space<vmem>>) dst(%dma_wait3A_102 : memref<10240x16xf32, #tpu.memory_space<vmem_shared>>)
      %add3A_103 = arith.constant 2 : i32
      %add3A_104 = arith.addi %mul3A_24, %add3A_103 : i32
      %dma_wait3A_105 = arith.constant 0 : i32
      %dma_wait3A_106 = tpu.memref_slice %arg5[%add3A_104, %dma_wait3A_105] : memref<80x128xi32, #tpu.memory_space<vmem>> -> memref<1x128xi32, #tpu.memory_space<vmem>>
      %dma_wait3A_107 = tpu.memref_squeeze %dma_wait3A_106 : memref<1x128xi32, #tpu.memory_space<vmem>> -> memref<128xi32, #tpu.memory_space<vmem>>
      %dma_wait3A_108 = arith.constant 0 : i32
      %dma_wait3A_109 = arith.constant 0 : i32
      %dma_wait3A_110 = tpu.memref_slice %arg7[%dma_wait3A_108, %dma_wait3A_109] : memref<10240x16xf32, #tpu.memory_space<vmem_shared>> -> memref<10240x16xf32, #tpu.memory_space<vmem_shared>>
      tpu.wait_indirect_dma semaphore(%arg8 : memref<!tpu.dma_semaphore, #tpu.memory_space<semaphore_mem>>) src(%arg6 : memref<128x16xf32, #tpu.memory_space<vmem>>) dst(%dma_wait3A_110 : memref<10240x16xf32, #tpu.memory_space<vmem_shared>>)
      %add3A_111 = arith.constant 3 : i32
      %add3A_112 = arith.addi %mul3A_24, %add3A_111 : i32
      %dma_wait3A_113 = arith.constant 0 : i32
      %dma_wait3A_114 = tpu.memref_slice %arg5[%add3A_112, %dma_wait3A_113] : memref<80x128xi32, #tpu.memory_space<vmem>> -> memref<1x128xi32, #tpu.memory_space<vmem>>
      %dma_wait3A_115 = tpu.memref_squeeze %dma_wait3A_114 : memref<1x128xi32, #tpu.memory_space<vmem>> -> memref<128xi32, #tpu.memory_space<vmem>>
      %dma_wait3A_116 = arith.constant 0 : i32
      %dma_wait3A_117 = arith.constant 0 : i32
      %dma_wait3A_118 = tpu.memref_slice %arg7[%dma_wait3A_116, %dma_wait3A_117] : memref<10240x16xf32, #tpu.memory_space<vmem_shared>> -> memref<10240x16xf32, #tpu.memory_space<vmem_shared>>
      tpu.wait_indirect_dma semaphore(%arg8 : memref<!tpu.dma_semaphore, #tpu.memory_space<semaphore_mem>>) src(%arg6 : memref<128x16xf32, #tpu.memory_space<vmem>>) dst(%dma_wait3A_118 : memref<10240x16xf32, #tpu.memory_space<vmem_shared>>)
      %add3A_119 = arith.constant 4 : i32
      %add3A_120 = arith.addi %mul3A_24, %add3A_119 : i32
      %dma_wait3A_121 = arith.constant 0 : i32
      %dma_wait3A_122 = tpu.memref_slice %arg5[%add3A_120, %dma_wait3A_121] : memref<80x128xi32, #tpu.memory_space<vmem>> -> memref<1x128xi32, #tpu.memory_space<vmem>>
      %dma_wait3A_123 = tpu.memref_squeeze %dma_wait3A_122 : memref<1x128xi32, #tpu.memory_space<vmem>> -> memref<128xi32, #tpu.memory_space<vmem>>
      %dma_wait3A_124 = arith.constant 0 : i32
      %dma_wait3A_125 = arith.constant 0 : i32
      %dma_wait3A_126 = tpu.memref_slice %arg7[%dma_wait3A_124, %dma_wait3A_125] : memref<10240x16xf32, #tpu.memory_space<vmem_shared>> -> memref<10240x16xf32, #tpu.memory_space<vmem_shared>>
      tpu.wait_indirect_dma semaphore(%arg8 : memref<!tpu.dma_semaphore, #tpu.memory_space<semaphore_mem>>) src(%arg6 : memref<128x16xf32, #tpu.memory_space<vmem>>) dst(%dma_wait3A_126 : memref<10240x16xf32, #tpu.memory_space<vmem_shared>>)
      %add3A_127 = arith.constant 5 : i32
      %add3A_128 = arith.addi %mul3A_24, %add3A_127 : i32
      %dma_wait3A_129 = arith.constant 0 : i32
      %dma_wait3A_130 = tpu.memref_slice %arg5[%add3A_128, %dma_wait3A_129] : memref<80x128xi32, #tpu.memory_space<vmem>> -> memref<1x128xi32, #tpu.memory_space<vmem>>
      %dma_wait3A_131 = tpu.memref_squeeze %dma_wait3A_130 : memref<1x128xi32, #tpu.memory_space<vmem>> -> memref<128xi32, #tpu.memory_space<vmem>>
      %dma_wait3A_132 = arith.constant 0 : i32
      %dma_wait3A_133 = arith.constant 0 : i32
      %dma_wait3A_134 = tpu.memref_slice %arg7[%dma_wait3A_132, %dma_wait3A_133] : memref<10240x16xf32, #tpu.memory_space<vmem_shared>> -> memref<10240x16xf32, #tpu.memory_space<vmem_shared>>
      tpu.wait_indirect_dma semaphore(%arg8 : memref<!tpu.dma_semaphore, #tpu.memory_space<semaphore_mem>>) src(%arg6 : memref<128x16xf32, #tpu.memory_space<vmem>>) dst(%dma_wait3A_134 : memref<10240x16xf32, #tpu.memory_space<vmem_shared>>)
      %add3A_135 = arith.constant 6 : i32
      %add3A_136 = arith.addi %mul3A_24, %add3A_135 : i32
      %dma_wait3A_137 = arith.constant 0 : i32
      %dma_wait3A_138 = tpu.memref_slice %arg5[%add3A_136, %dma_wait3A_137] : memref<80x128xi32, #tpu.memory_space<vmem>> -> memref<1x128xi32, #tpu.memory_space<vmem>>
      %dma_wait3A_139 = tpu.memref_squeeze %dma_wait3A_138 : memref<1x128xi32, #tpu.memory_space<vmem>> -> memref<128xi32, #tpu.memory_space<vmem>>
      %dma_wait3A_140 = arith.constant 0 : i32
      %dma_wait3A_141 = arith.constant 0 : i32
      %dma_wait3A_142 = tpu.memref_slice %arg7[%dma_wait3A_140, %dma_wait3A_141] : memref<10240x16xf32, #tpu.memory_space<vmem_shared>> -> memref<10240x16xf32, #tpu.memory_space<vmem_shared>>
      tpu.wait_indirect_dma semaphore(%arg8 : memref<!tpu.dma_semaphore, #tpu.memory_space<semaphore_mem>>) src(%arg6 : memref<128x16xf32, #tpu.memory_space<vmem>>) dst(%dma_wait3A_142 : memref<10240x16xf32, #tpu.memory_space<vmem_shared>>)
      %add3A_143 = arith.constant 7 : i32
      %add3A_144 = arith.addi %mul3A_24, %add3A_143 : i32
      %dma_wait3A_145 = arith.constant 0 : i32
      %dma_wait3A_146 = tpu.memref_slice %arg5[%add3A_144, %dma_wait3A_145] : memref<80x128xi32, #tpu.memory_space<vmem>> -> memref<1x128xi32, #tpu.memory_space<vmem>>
      %dma_wait3A_147 = tpu.memref_squeeze %dma_wait3A_146 : memref<1x128xi32, #tpu.memory_space<vmem>> -> memref<128xi32, #tpu.memory_space<vmem>>
      %dma_wait3A_148 = arith.constant 0 : i32
      %dma_wait3A_149 = arith.constant 0 : i32
      %dma_wait3A_150 = tpu.memref_slice %arg7[%dma_wait3A_148, %dma_wait3A_149] : memref<10240x16xf32, #tpu.memory_space<vmem_shared>> -> memref<10240x16xf32, #tpu.memory_space<vmem_shared>>
      tpu.wait_indirect_dma semaphore(%arg8 : memref<!tpu.dma_semaphore, #tpu.memory_space<semaphore_mem>>) src(%arg6 : memref<128x16xf32, #tpu.memory_space<vmem>>) dst(%dma_wait3A_150 : memref<10240x16xf32, #tpu.memory_space<vmem_shared>>)
    }
    %scan3A_16 = arith.constant 10 : i32
    %barrier3A_17 = arith.constant 0 : index
    tpu.barrier barrier_id(%barrier3A_17)
    %mul3A_18 = arith.constant 640 : i32
    %mul3A_19 = arith.muli %arg1, %mul3A_18 : i32
    %mul3A_20 = arith.constant 640 : i32
    %mul3A_21 = arith.muli %arg1, %mul3A_20 : i32
    "tpu.region"() ({
      %run_scoped3A = tpu.sem_alloc : memref<!tpu.dma_semaphore, #tpu.memory_space<semaphore_mem>>
      %dma_start3A = arith.constant 0 : i32
      %dma_start3A_22 = tpu.memref_slice %arg4[%arg0, %mul3A_21, %dma_start3A] : memref<2x10240x16xf32, #tpu.memory_space<hbm>> -> memref<1x640x16xf32, #tpu.memory_space<hbm>>
      %dma_start3A_23 = tpu.memref_squeeze %dma_start3A_22 : memref<1x640x16xf32, #tpu.memory_space<hbm>> -> memref<640x16xf32, #tpu.memory_space<hbm>>
      %dma_start3A_24 = arith.constant 0 : i32
      %dma_start3A_25 = tpu.memref_slice %arg7[%mul3A_19, %dma_start3A_24] : memref<10240x16xf32, #tpu.memory_space<vmem_shared>> -> memref<640x16xf32, #tpu.memory_space<vmem_shared>>
      tpu.enqueue_dma source(%dma_start3A_25 : memref<640x16xf32, #tpu.memory_space<vmem_shared>>) target(%dma_start3A_23 : memref<640x16xf32, #tpu.memory_space<hbm>>) target_semaphore(%run_scoped3A : memref<!tpu.dma_semaphore, #tpu.memory_space<semaphore_mem>>)
      %dma_wait3A = arith.constant 0 : i32
      %dma_wait3A_26 = tpu.memref_slice %arg4[%arg0, %mul3A_21, %dma_wait3A] : memref<2x10240x16xf32, #tpu.memory_space<hbm>> -> memref<1x640x16xf32, #tpu.memory_space<hbm>>
      %dma_wait3A_27 = tpu.memref_squeeze %dma_wait3A_26 : memref<1x640x16xf32, #tpu.memory_space<hbm>> -> memref<640x16xf32, #tpu.memory_space<hbm>>
      %dma_wait3A_28 = arith.constant 0 : i32
      %dma_wait3A_29 = tpu.memref_slice %arg7[%mul3A_19, %dma_wait3A_28] : memref<10240x16xf32, #tpu.memory_space<vmem_shared>> -> memref<640x16xf32, #tpu.memory_space<vmem_shared>>
      tpu.wait_dma2 semaphore(%run_scoped3A : memref<!tpu.dma_semaphore, #tpu.memory_space<semaphore_mem>>) src(%dma_wait3A_29 : memref<640x16xf32, #tpu.memory_space<vmem_shared>>) dst(%dma_wait3A_27 : memref<640x16xf32, #tpu.memory_space<hbm>>)
      tpu.yield
    }) : () -> ()
    return
  }
}

module attributes {stable_mosaic.version = 14 : i64} {
  func.func @_mm_body(%arg0: i32, %arg1: memref<2000x128xf32, #tpu.memory_space<vmem>>, %arg2: memref<128x128xf32, #tpu.memory_space<vmem>>, %arg3: memref<2x2000x16xf32, #tpu.memory_space<vmem>>, %arg4: memref<2000x128xf32, #tpu.memory_space<vmem>>) attributes {dimension_semantics = [#tpu.dimension_semantics<arbitrary>], iteration_bounds = array<i64: 5>, scalar_prefetch = 0 : i64, scratch_operands = 0 : i64, tpu.core_type = #tpu.core_type<tc>, window_params = [{transform_indices = @transform_0, window_bounds = array<i64: 2000, 128>}, {pipeline_mode = #tpu.pipeline_mode<synchronous>, transform_indices = @transform_1, window_bounds = array<i64: 128, 128>}, {transform_indices = @transform_2, window_bounds = array<i64: 2, 2000, 16>}, {transform_indices = @transform_3, window_bounds = array<i64: 2000, 128>}]} {
    %get3A = arith.constant 0 : index
    %get3A_0 = arith.constant 0 : index
    %get3A_1 = arith.constant 0 : index
    %get3A_2 = vector.load %arg3[%get3A, %get3A_0, %get3A_1] : memref<2x2000x16xf32, #tpu.memory_space<vmem>>, vector<1x2000x1xf32>
    %get3A_3 = vector.shape_cast %get3A_2 : vector<1x2000x1xf32> to vector<2000x1xf32>
    %get3A_4 = arith.constant 1 : index
    %get3A_5 = arith.constant 0 : index
    %get3A_6 = arith.constant 0 : index
    %get3A_7 = vector.load %arg3[%get3A_4, %get3A_5, %get3A_6] : memref<2x2000x16xf32, #tpu.memory_space<vmem>>, vector<1x2000x1xf32>
    %get3A_8 = vector.shape_cast %get3A_7 : vector<1x2000x1xf32> to vector<2000x1xf32>
    %add3A = arith.addf %get3A_3, %get3A_8 : vector<2000x1xf32>
    %add3A_9 = arith.constant 1.000000e+00 : f32
    %add3A_10 = vector.broadcast %add3A_9 : f32 to vector<2000x1xf32>
    %add3A_11 = arith.addf %add3A, %add3A_10 : vector<2000x1xf32>
    %rsqrt3A = math.rsqrt %add3A_11 : vector<2000x1xf32>
    %get3A_12 = arith.constant 0 : index
    %get3A_13 = arith.constant 0 : index
    %get3A_14 = vector.load %arg1[%get3A_12, %get3A_13] : memref<2000x128xf32, #tpu.memory_space<vmem>>, vector<2000x128xf32>
    %get3A_15 = arith.constant 0 : index
    %get3A_16 = arith.constant 0 : index
    %get3A_17 = vector.load %arg2[%get3A_15, %get3A_16] : memref<128x128xf32, #tpu.memory_space<vmem>>, vector<128x128xf32>
    %dot_general3A = arith.constant dense<0.000000e+00> : vector<2000x128xf32>
    %dot_general3A_18 = tpu.matmul %get3A_14, %get3A_17, %dot_general3A {dimension_numbers = #tpu.dot_dimension_numbers<[1], [0], [0], [1], [0, 0, 1, 1], [], []>, transpose_lhs_hint = false} : vector<2000x128xf32>, vector<128x128xf32>, vector<2000x128xf32> -> vector<2000x128xf32>
    %mul3A = vector.broadcast %rsqrt3A : vector<2000x1xf32> to vector<2000x128xf32>
    %mul3A_19 = arith.mulf %dot_general3A_18, %mul3A : vector<2000x128xf32>
    %swap3A = arith.constant 0 : index
    %swap3A_20 = arith.constant 0 : index
    %swap3A_21 = vector.load %arg4[%swap3A, %swap3A_20] : memref<2000x128xf32, #tpu.memory_space<vmem>>, vector<2000x128xf32>
    tpu.vector_store %arg4[%swap3A, %swap3A_20], %mul3A_19 {strides = array<i32>} : memref<2000x128xf32, #tpu.memory_space<vmem>>, vector<2000x128xf32>,
    return
  }
  func.func @transform_0(%arg0: i32) -> (i32, i32) {
    %c0_i32 = arith.constant 0 : i32
    %c0_i32_0 = arith.constant 0 : i32
    return %arg0, %c0_i32 : i32, i32
  }
  func.func @transform_1(%arg0: i32) -> (i32, i32) {
    %c0_i32 = arith.constant 0 : i32
    %c0_i32_0 = arith.constant 0 : i32
    %c0_i32_1 = arith.constant 0 : i32
    return %c0_i32, %c0_i32_0 : i32, i32
  }
  func.func @transform_2(%arg0: i32) -> (i32, i32, i32) {
    %c0_i32 = arith.constant 0 : i32
    %c0_i32_0 = arith.constant 0 : i32
    %c0_i32_1 = arith.constant 0 : i32
    return %c0_i32, %arg0, %c0_i32_0 : i32, i32, i32
  }
  func.func @transform_3(%arg0: i32) -> (i32, i32) {
    %c0_i32 = arith.constant 0 : i32
    %c0_i32_0 = arith.constant 0 : i32
    return %arg0, %c0_i32 : i32, i32
  }
}

module attributes {stable_mosaic.version = 14 : i64} {
  func.func @_ep_body(%arg0: i32, %arg1: memref<2x1000x64xf32, #tpu.memory_space<vmem>>, %arg2: memref<1000x128xf32, #tpu.memory_space<vmem>>, %arg3: memref<2x1000x16xf32, #tpu.memory_space<vmem>>, %arg4: memref<1x128xf32, #tpu.memory_space<vmem>>, %arg5: memref<1000x128xf32, #tpu.memory_space<vmem>>) attributes {dimension_semantics = [#tpu.dimension_semantics<arbitrary>], iteration_bounds = array<i64: 10>, scalar_prefetch = 0 : i64, scratch_operands = 0 : i64, tpu.core_type = #tpu.core_type<tc>, window_params = [{transform_indices = @transform_0, window_bounds = array<i64: 2, 1000, 64>}, {transform_indices = @transform_1, window_bounds = array<i64: 1000, 128>}, {transform_indices = @transform_2, window_bounds = array<i64: 2, 1000, 16>}, {pipeline_mode = #tpu.pipeline_mode<synchronous>, transform_indices = @transform_3, window_bounds = array<i64: 1, 128>}, {transform_indices = @transform_4, window_bounds = array<i64: 1000, 128>}]} {
    %get3A = arith.constant 0 : index
    %get3A_0 = arith.constant 0 : index
    %get3A_1 = arith.constant 0 : index
    %get3A_2 = vector.load %arg3[%get3A, %get3A_0, %get3A_1] : memref<2x1000x16xf32, #tpu.memory_space<vmem>>, vector<1x1000x1xf32>
    %get3A_3 = vector.shape_cast %get3A_2 : vector<1x1000x1xf32> to vector<1000x1xf32>
    %get3A_4 = arith.constant 1 : index
    %get3A_5 = arith.constant 0 : index
    %get3A_6 = arith.constant 0 : index
    %get3A_7 = vector.load %arg3[%get3A_4, %get3A_5, %get3A_6] : memref<2x1000x16xf32, #tpu.memory_space<vmem>>, vector<1x1000x1xf32>
    %get3A_8 = vector.shape_cast %get3A_7 : vector<1x1000x1xf32> to vector<1000x1xf32>
    %add3A = arith.addf %get3A_3, %get3A_8 : vector<1000x1xf32>
    %add3A_9 = arith.constant 1.000000e+00 : f32
    %add3A_10 = vector.broadcast %add3A_9 : f32 to vector<1000x1xf32>
    %add3A_11 = arith.addf %add3A, %add3A_10 : vector<1000x1xf32>
    %rsqrt3A = math.rsqrt %add3A_11 : vector<1000x1xf32>
    %get3A_12 = arith.constant 0 : index
    %get3A_13 = arith.constant 0 : index
    %get3A_14 = arith.constant 0 : index
    %get3A_15 = vector.load %arg1[%get3A_12, %get3A_13, %get3A_14] : memref<2x1000x64xf32, #tpu.memory_space<vmem>>, vector<1x1000x64xf32>
    %get3A_16 = vector.shape_cast %get3A_15 : vector<1x1000x64xf32> to vector<1000x64xf32>
    %get3A_17 = arith.constant 1 : index
    %get3A_18 = arith.constant 0 : index
    %get3A_19 = arith.constant 0 : index
    %get3A_20 = vector.load %arg1[%get3A_17, %get3A_18, %get3A_19] : memref<2x1000x64xf32, #tpu.memory_space<vmem>>, vector<1x1000x64xf32>
    %get3A_21 = vector.shape_cast %get3A_20 : vector<1x1000x64xf32> to vector<1000x64xf32>
    %concatenate3A = tpu.concatenate %get3A_16, %get3A_21 in 1 : vector<1000x64xf32>, vector<1000x64xf32> -> vector<1000x128xf32>
    %get3A_22 = arith.constant 0 : index
    %get3A_23 = arith.constant 0 : index
    %get3A_24 = vector.load %arg2[%get3A_22, %get3A_23] : memref<1000x128xf32, #tpu.memory_space<vmem>>, vector<1000x128xf32>
    %add3A_25 = arith.addf %concatenate3A, %get3A_24 : vector<1000x128xf32>
    %mul3A = vector.broadcast %rsqrt3A : vector<1000x1xf32> to vector<1000x128xf32>
    %mul3A_26 = arith.mulf %add3A_25, %mul3A : vector<1000x128xf32>
    %get3A_27 = arith.constant 0 : index
    %get3A_28 = arith.constant 0 : index
    %get3A_29 = vector.load %arg4[%get3A_27, %get3A_28] : memref<1x128xf32, #tpu.memory_space<vmem>>, vector<1x128xf32>
    %add3A_30 = vector.broadcast %get3A_29 : vector<1x128xf32> to vector<1000x128xf32>
    %add3A_31 = arith.addf %mul3A_26, %add3A_30 : vector<1000x128xf32>
    %swap3A = arith.constant 0 : index
    %swap3A_32 = arith.constant 0 : index
    %swap3A_33 = vector.load %arg5[%swap3A, %swap3A_32] : memref<1000x128xf32, #tpu.memory_space<vmem>>, vector<1000x128xf32>
    tpu.vector_store %arg5[%swap3A, %swap3A_32], %add3A_31 {strides = array<i32>} : memref<1000x128xf32, #tpu.memory_space<vmem>>, vector<1000x128xf32>,
    return
  }
  func.func @transform_0(%arg0: i32) -> (i32, i32, i32) {
    %c0_i32 = arith.constant 0 : i32
    %c0_i32_0 = arith.constant 0 : i32
    %c0_i32_1 = arith.constant 0 : i32
    return %c0_i32, %arg0, %c0_i32_0 : i32, i32, i32
  }
  func.func @transform_1(%arg0: i32) -> (i32, i32) {
    %c0_i32 = arith.constant 0 : i32
    %c0_i32_0 = arith.constant 0 : i32
    return %arg0, %c0_i32 : i32, i32
  }
  func.func @transform_2(%arg0: i32) -> (i32, i32, i32) {
    %c0_i32 = arith.constant 0 : i32
    %c0_i32_0 = arith.constant 0 : i32
    %c0_i32_1 = arith.constant 0 : i32
    return %c0_i32, %arg0, %c0_i32_0 : i32, i32, i32
  }
  func.func @transform_3(%arg0: i32) -> (i32, i32) {
    %c0_i32 = arith.constant 0 : i32
    %c0_i32_0 = arith.constant 0 : i32
    %c0_i32_1 = arith.constant 0 : i32
    return %c0_i32, %c0_i32_0 : i32, i32
  }
  func.func @transform_4(%arg0: i32) -> (i32, i32) {
    %c0_i32 = arith.constant 0 : i32
    %c0_i32_0 = arith.constant 0 : i32
    return %arg0, %c0_i32 : i32, i32
  }
}

</mosaic_0001>

<sc_bundles>
// kernel: kernel.6.cloned.1.call-start
scs
__scs_entry_jumppad:
0x0: {  	(pc) =	sbr.rel $0x88, $3  }
0x1: {  	(tag) =	ssettag $0x0;
	lr =	simm.s32 $0x1  }
0x2: {  	[smem:$0x3F9D] =	sst lr;
	_ =	strace $0xD0000000  }
0x3: {  	_ = 	snop  }
0x4: {  	_ = 	snop  }
0x5: {  	_ = 	snop  }
0x6: {  	_ = 	snop  }
0x7: {  	_ = 	snop  }
__scs_overlays_trampoline_lowered:
0x8: {  	[smem:$0x3FAC] =	sst s0  }
0x9: {  	[smem:$0x3FAD] =	sst s1  }
0xa: {  	[smem:$0x3FAE] =	sst s2  }
0xb: {  	[smem:$0x3FAF] =	sst s3  }
0xc: {  	[smem:$0x3FB0] =	sst s4  }
0xd: {  	[smem:$0x3FB1] =	sst s5  }
0xe: {  	[smem:$0x3FB2] =	sst s6  }
0xf: {  	[smem:$0x3FB3] =	sst s7  }
0x10: {  	[smem:$0x3FB4] =	sst s8  }
0x11: {  	[smem:$0x3FB5] =	sst s9;
	s0 =	simm.s32 @!p0 $0x0  }
0x12: {  	s1 =	sld [smem:$0x3F9B];
	s0 =	simm.s32 @p0 $0x1  }
0x13: {  	[smem:$0x3FB6] =	sst s0;
	s0 =	simm.s32 @!p1 $0x0  }
0x14: {  	s2 =	sld [smem:$0x3F9A];
	s0 =	simm.s32 @p1 $0x1  }
0x15: {  	[smem:$0x3FB7] =	sst s0;
	s0 =	simm.s32 @!p2 $0x0  }
0x16: {  	s3 =	sld [smem:$0x3FDB];
	s0 =	simm.s32 @p2 $0x1  }
0x17: {  	s4 =	simm.s32 $0x1BF5;
	[smem:$0x3FB9] =	sst s0  }
0x18: {  	s0 =	sld [smem:$0x3F9C];
	_ =	swait.ge [sflag:s4], $0x0  }
0x19: {  	s7 =	sld [smem:$0x3F9D]  }
0x1a: {  	s8 =	sadd.s32 $0xFFFFE003, lr  }
0x1b: {  	s9 =	sadd.s32 $0xFFFFFEF7, lr;
	s5 =	simm.s32 $0xFFFFFFFF;
	p2 =	slt.u32 s8, $0xFFFFF086  }
0x1c: {  	p1 =	slt.u32 s9, $0xF7A;
	s5 =	simm.s32 @!p2 $0x0  }
0x1d: {  	s5 =	simm.s32 @p1 $0x1;
	p0 =	seq.s32 s7, s2  }
0x1e: {  	s7 =	smul.u32 @!p0 $0xF7A, s2;
	p2 =	seq.s32 @!p0 s5, $0x0  }
0x1f: {  	s9 =	smul.u32 $0xF7A, s1;
	s8 =	simm.s32 @!p0 $0x1BF5;
	p2 =	por !p2, p0  }
0x20: {  	[sflag:s8] =	ssyncset.s32 @!p0 $0xFFFFF086;
	s6 =	sadd.s32 @!p0 s3, s7;
	s7 =	simm.s32 @!p0 $0x108  }
0x21: {  	s3 =	sadd.s32 s3, s9;
	s6 =	sadd.s32 @!p0 $0x88, s6;
	s7 =	simm.s32 @p2 $0x1082  }
0x22: {  	[simem:s7], [sflag:s8] =	dma.local @!p0 [hbm:s6], $0xF7A  }
0x23: {  	s9 =	sor.u32 $0xD0000000, s2;
	s6 =	simm.s32 $0x108;
	_ =	swait.ge @!p0 [sflag:s8], $0x0  }
0x24: {  	s3 =	sadd.s32 $0x88, s3;
	s6 =	simm.s32 @!p1 $0x1082;
	[sflag:s4] =	ssyncset.s32 $0xFFFFF086  }
0x25: {  	[simem:s6], [sflag:s4] =	dma.local [hbm:s3], $0xF7A  }
0x26: {  	[smem:$0x3F9D] =	sst s1;
	(tag) =	ssettag s2;
	_ =	strace s9  }
0x27: {  	s1 =	sld [smem:$0x3FAD]  }
0x28: {  	s2 =	sld [smem:$0x3FAE]  }
0x29: {  	s4 =	sld [smem:$0x3FB0]  }
0x2a: {  	p0 =	seq.s32 s5, $0x0;
	s5 =	sld [smem:$0x3FB1]  }
0x2b: {  	s6 =	sld [smem:$0x3FB2]  }
0x2c: {  	s7 =	sld [smem:$0x3FB3]  }
0x2d: {  	s3 =	simm.s32 $0x108;
	s8 =	sld [smem:$0x3FB4]  }
0x2e: {  	s3 =	simm.s32 @!p0 $0x1082;
	s9 =	sld [smem:$0x3FB5]  }
0x2f: {  	lr =	sadd.s32 s0, s3;
	s0 =	sld [smem:$0x3FAC]  }
0x30: {  	s3 =	sld [smem:$0x3FAF]  }
0x31: {  	[smem:$0x3FB8] =	sst s10  }
0x32: {  	s10 =	sld [smem:$0x3FB6];
	_ =	sdelay $0x3  }
0x33: {  	p0 =	seq.s32 s10, $0x1;
	s10 =	sld [smem:$0x3FB8];
	_ =	sdelay $0x3  }
0x34: {  	[smem:$0x3FB8] =	sst s10  }
0x35: {  	s10 =	sld [smem:$0x3FB7];
	_ =	sdelay $0x3  }
0x36: {  	p1 =	seq.s32 s10, $0x1;
	s10 =	sld [smem:$0x3FB8];
	_ =	sdelay $0x3  }
0x37: {  	[smem:$0x3FB8] =	sst s10  }
0x38: {  	s10 =	sld [smem:$0x3FB9]  }
0x39: {  	_ = 	snop;
	(pc) =	sbr.ind lr, $3  }
0x3a: {  	_ = 	snop  }
0x3b: {  	_ = 	snop  }
0x3c: {  	p2 =	seq.s32 s10, $0x1;
	s10 =	sld [smem:$0x3FB8]  }
0x3d: {  	_ =	shalt  }
0x3e: {  	_ =	shalt  }
0x3f: {  	_ =	shalt  }
0x40: {  	_ =	shalt  }
0x41: {  	_ =	shalt  }
0x42: {  	_ =	shalt  }
0x43: {  	_ =	shalt  }
0x44: {  	_ =	shalt  }
0x45: {  	_ =	shalt  }
0x46: {  	_ =	shalt  }
0x47: {  	_ =	shalt  }
0x48: {  	_ =	shalt  }
0x49: {  	_ =	shalt  }
0x4a: {  	_ =	shalt  }
0x4b: {  	_ =	shalt  }
0x4c: {  	_ =	shalt  }
0x4d: {  	_ =	shalt  }
0x4e: {  	_ =	shalt  }
0x4f: {  	_ =	shalt  }
0x50: {  	_ =	shalt  }
0x51: {  	_ =	shalt  }
0x52: {  	_ =	shalt  }
0x53: {  	_ =	shalt  }
0x54: {  	_ =	shalt  }
0x55: {  	_ =	shalt  }
0x56: {  	_ =	shalt  }
0x57: {  	_ =	shalt  }
0x58: {  	_ =	shalt  }
0x59: {  	_ =	shalt  }
0x5a: {  	_ =	shalt  }
0x5b: {  	_ =	shalt  }
0x5c: {  	_ =	shalt  }
0x5d: {  	_ =	shalt  }
0x5e: {  	_ =	shalt  }
0x5f: {  	_ =	shalt  }
0x60: {  	_ =	shalt  }
0x61: {  	_ =	shalt  }
0x62: {  	_ =	shalt  }
0x63: {  	_ =	shalt  }
0x64: {  	_ =	shalt  }
0x65: {  	_ =	shalt  }
0x66: {  	_ =	shalt  }
0x67: {  	_ =	shalt  }
0x68: {  	_ =	shalt  }
0x69: {  	_ =	shalt  }
0x6a: {  	_ =	shalt  }
0x6b: {  	_ =	shalt  }
0x6c: {  	_ =	shalt  }
0x6d: {  	_ =	shalt  }
0x6e: {  	_ =	shalt  }
0x6f: {  	_ =	shalt  }
0x70: {  	_ =	shalt  }
0x71: {  	_ =	shalt  }
0x72: {  	_ =	shalt  }
0x73: {  	_ =	shalt  }
0x74: {  	_ =	shalt  }
0x75: {  	_ =	shalt  }
0x76: {  	_ =	shalt  }
0x77: {  	_ =	shalt  }
0x78: {  	_ =	shalt  }
0x79: {  	_ =	shalt  }
0x7a: {  	_ =	shalt  }
0x7b: {  	_ =	shalt  }
0x7c: {  	_ =	shalt  }
0x7d: {  	_ =	shalt  }
0x7e: {  	_ =	shalt  }
0x7f: {  	_ =	shalt  }
0x80: {  	_ =	shalt  }
0x81: {  	_ =	shalt  }
0x82: {  	_ =	shalt  }
0x83: {  	_ =	shalt  }
0x84: {  	_ =	shalt  }
0x85: {  	_ =	shalt  }
0x86: {  	_ =	shalt  }
0x87: {  	_ =	shalt  }
.Lfunc_end0:
.L_simem_size_0:
called_computation_lowered:
.L_overlay_start_0:
0x88: {  	s2 =	sld [smem:$0x3FD9]  }
0x89: {  	s3 =	sld [smem:$0x3FFE];
	_ =	sdelay $0x1  }
0x8a: {  	s1 =	srdreg.scid  }
0x8b: {  	s0 =	sand.u32 $0x1, s1  }
0x8c: {  	s17 =	sshll.u32 s0, $0xA;
	s2 =	sadd.s32 s3, s2  }
0x8d: {  	s2 =	sadd.s32 s2, s17  }
0x8e: {  	[smem:$0x3FC4] =	sst s2  }
0x8f: {  	_ = 	snop  }
0x90: {  	s2 =	sld [smem:$0x3FD0];
	(tm) =	ssettm $0x1  }
0x91: {  	s18 =	sld [smem:$0x3FFB];
	_ =	sdelay $0x3  }
0x92: {  	_ =	strace s18  }
0x93: {  	s3 =	sld [smem:$0x3FFC];
	_ =	sdelay $0x3  }
0x94: {  	_ =	strace s3  }
0x95: {  	s3 =	sld [smem:$0x3FFD];
	_ =	sdelay $0x3  }
0x96: {  	_ =	strace s3  }
0x97: {  	_ =	strace $0x8FFFFFFF  }
0x98: {  	s19 =	sld [smem:$0x3FDB];
	_ =	sdelay $0x1  }
0x99: {  	s4 =	simm.s32 $_scs_section_size  }
0x9a: {  	s5 =	simm.s32 $_size__tile_overlayer_lowered;
	s6 =	simm.s32 $_tile_overlayer_lowered  }
0x9b: {  	s22 =	simm.s32 $0x1BFF;
	s21 =	sshll.u32 s6, $0x1;
	s3 =	sadd.s32 s4, s19  }
0x9c: {  	s7 =	simm.s32 $0x0;
	s20 =	sshll.u32 s5, $0x1;
	s5 =	sadd.s32 s21, s3  }
0x9d: {  	[timem:s7], [sflag:s22] =	dma.local [hbm:s5], s20  }
0x9e: {  	_ =	swait.ge [sflag:s22], s20  }
0x9f: {  	s4 =	ssub.s32 $0x0, s20;
	[sflag:s22] =	ssyncset.done $0x0  }
0xa0: {  	[sflag:s22] =	ssyncadd.s32 s4;
	_ =	sdelay $0x1  }
0xa1: {  	s23 =	simm.s32 $0x1B8B  }
0xa2: {  	_ =	swait.ge [sflag:s23], $0x1  }
0xa3: {  	[sflag:s23] =	ssyncset.done $0x0  }
0xa4: {  	s25 =	simm.s32 $0x1B8E;
	s24 =	sld [smem:$0x3FFE];
	[sflag:s23] =	ssyncadd.s32 $0xFFFFFFFF  }
0xa5: {  	s26 =	simm.s32 $execute0_lowered;
	[smem:$0x3FD2] =	sst s25  }
0xa6: {  	s5 =	sshll.u32 s26, $0x1;
	_ =	strace $0x80000046;
	[dreg:$0x1] =	wrdreg $0xFFFFFFFF  }
0xa7: {  	s28 =	simm.s32 $_size_execute0_lowered;
	s3 =	sadd.s32 s3, s5;
	[dreg:$0x0] =	wrdreg $0x0  }
0xa8: {  	s5 =	sshll.u32 s28, $0x1;
	[dreg:$0x2] =	wrdreg s3  }
0xa9: {  	[dreg:$0x3] =	wrdreg s5  }
0xaa: {  	[dreg:$0x4] =	wrdreg $0xC0  }
0xab: {  	_ =	task [dreg:s7], $0x5FFFF  }
0xac: {  	[dreg:$0x1] =	wrdreg $0xFFFFFFFF  }
0xad: {  	[dreg:$0x0] =	wrdreg $0x60  }
0xae: {  	[dreg:$0x2] =	wrdreg s2  }
0xaf: {  	[dreg:$0x3] =	wrdreg s24  }
0xb0: {  	[dreg:$0x4] =	wrdreg $0x30000  }
0xb1: {  	[dreg:$0x5] =	wrdreg $0x9  }
0xb2: {  	_ =	task.clear_ibuf [dreg:s7], $0x6FFFF;
	_ =	strace $0x90000046  }
0xb3: {  	s29 =	simm.s32 $0x9;
	_ =	strace $0x80000048  }
0xb4: {  	_ =	swait.ge [sflag:s29], $0x1  }
0xb5: {  	[sflag:s29] =	ssyncadd.s32 $0xFFFFFFFF  }
0xb6: {  	_ =	strace $0x90000048  }
0xb7: {  	_ =	sfence  }
0xb8: {  	s30 =	sld [smem:$0x0];
	_ =	sdelay $0x2  }
0xb9: {  	s31 =	sshll.u32 s1, $0xD;
	s1 =	sshrl.u32 s1, $0x2  }
0xba: {  	s3 =	sand.u32 $0x4000, s31;
	s1 =	sadd.s32 s1, s30  }
0xbb: {  	s0 =	sor.u32 s3, s0;
	s1 =	sshll.u32 s1, $0x11  }
0xbc: {  	s0 =	sor.u32 s1, s0  }
0xbd: {  	s0 =	sadd.s32 $0x8F2B, s0  }
0xbe: {  	[sflag:s0] =	ssyncadd.remote.s32 $0x1  }
0xbf: {  	_ =	sfence.sel $0xFFFF  }
0xc0: {  	[dreg:$0x0] =	wrdreg $0xFFFFFFFF;
	(pc) =	sbr.abs _section_cstart, $3  }
0xc1: {  	[dreg:$0x1] =	wrdreg $0xFFFFFFFF  }
0xc2: {  	_ =	task.clear_ibuf [dreg:s7], $0x2FFFF;
	_ =	strace $0x9FFFFFFF  }
0xc3: {  	(tm) =	ssettm $0x7FFFFFFF  }
tec
execute0_lowered:
.L_overlay_start_1:
0x0: {  	(tag) =	ssettag $0x1  }
0x1: {  	s4 =	rddreg [dreg:$0x0]  }
0x2: {  	s5 =	rddreg [dreg:$0x1]  }
0x3: {  	s2 =	rddreg [dreg:$0x2]  }
0x4: {  	s0 =	rddreg [dreg:$0x3]  }
0x5: {  	s1 =	stileid.u32;
	s6 =	srdreg.scid  }
0x6: {  	s3 =	simm.s32 $0x0;
	s13 =	simm.s32 $0x1;
	s14 =	simm.s32 $0x0  }
0x7: {  	s7 =	smul.u32 $0x2800, s1;
	s6 =	sand.u32 $0x1, s6;
	[smem:$0x7FF] =	sst s3  }
0x8: {  	s31 =	sshll.u32 s1, $0x6;
	s8 =	smul.u32 $0x28000, s6;
	s9 =	sshll.u32 s6, $0x4  }
0x9: {  	_ =	strace $0x80000047;
	s6 =	ssub.s32 $0x2, s6;
	s10 =	sshrl.u32 s7, $0x3  }
0xa: {  	s9 =	sor.u32 s1, s9;
	s11 =	sshrl.u32 s6, $0x1;
	s12 =	sadd.s32 s7, s2  }
0xb: {  	s8 =	sadd.s32 s7, s8;
	s9 =	smul.u32 $0x500, s9;
	s11 =	ssub.s32 s6, s11  }
0xc: {  	s10 =	sadd.s32 s10, s5;
	s8 =	sshrl.u32 s8, $0x3;
	s7 =	smax.u32 s11, $0x1  }
0xd: {  	s11 =	simm.s32 $0x80;
	s8 =	sadd.s32 s8, s5;
	s4 =	sadd.s32 s4, s9  }
0xe: {  	s5 =	sadd.s32 $0x1000, s10;
	s9 =	sor.u32 $0x1C02, s31;
	s10 =	sshrl.u32 s12, $0x3  }
0xf: {  	v0 =	vimm.f32 $1.000000000e+00;
	s12 =	simm.s32 $0x2800;
	s6 =	sadd.s32 $0x6000, s8;
	s8 =	simm.s32 $0x2  }
.LBB2_1:
0x10: {  	[tilespmem:s3], [sflag:$0x2] =	stream.linear.gather [hbm4b:s4+s3], $0x2800, $0x38;
	[tilespmem:$0x5800] =	vst v63  }
0x11: {  	_ =	swait.ge [sflag:s8], $0x2800  }
0x12: {  	[sflag:s8] =	ssyncset.done $0x0  }
0x13: {  	[sflag:s8] =	ssyncadd.s32 $0xFFFFD800  }
0x14: {  	[spmem:s10], [sflag:s9] =	dma.local [hbm:s5], $0x500  }
0x15: {  	_ =	swait.ge [sflag:s8], $0x500  }
0x16: {  	[sflag:s8] =	ssyncset.done $0x0  }
0x17: {  	s15 =	simm.s32 $0x40;
	s16 =	simm.s32 $0x0;
	[sflag:s8] =	ssyncadd.s32 $0xFFFFFB00  }
.LBB2_2:
0x18: {  	p0 =	sne.s32 s15, $0x1FC0;
	[tilespmem:s16+$0x2800] =	vst v0;
	s16 =	smov.u32 s15;
	s15 =	sadd.s32 $0x40, s15  }
.Ltmp0:
0x19: {  	(pc) =	sbr.rel @p0 .LBB2_2-.Ltmp0, $2  }
0x1a: {  	_ =	sdelay $0x2  }
0x1b: {  	s16 =	sshra.s32 s16, $0x2  }
0x1c: {  	[tilespmem:s16+$0x2800] =	vst v0  }
0x1d: {  	s15 =	simm.s32 $0x0;
	[bflag:$0x0] =	sbarrier.arrive $0xFFFF  }
0x1e: {  	[spmem:s2] =	stream.indirect.scatter.add.f32 [tilespmem:s12], [sflag:$0x1], $0x10, s15, s11, $0xb8;
	[tilespmem:$0x5800] =	vst v63  }
0x1f: {  	s24 =	simm.s32 $0x80  }
0x20: {  	[spmem:s2] =	stream.indirect.scatter.add.f32 [tilespmem:s12], [sflag:$0x1], $0x10, s24, s11, $0xb8;
	[tilespmem:$0x5800] =	vst v63  }
0x21: {  	s25 =	simm.s32 $0x100  }
0x22: {  	[spmem:s2] =	stream.indirect.scatter.add.f32 [tilespmem:s12], [sflag:$0x1], $0x10, s25, s11, $0xb8;
	[tilespmem:$0x5800] =	vst v63  }
0x23: {  	s26 =	simm.s32 $0x180  }
0x24: {  	[spmem:s2] =	stream.indirect.scatter.add.f32 [tilespmem:s12], [sflag:$0x1], $0x10, s26, s11, $0xb8;
	[tilespmem:$0x5800] =	vst v63  }
0x25: {  	s28 =	simm.s32 $0x200  }
0x26: {  	[spmem:s2] =	stream.indirect.scatter.add.f32 [tilespmem:s12], [sflag:$0x1], $0x10, s28, s11, $0xb8;
	[tilespmem:$0x5800] =	vst v63  }
0x27: {  	s29 =	simm.s32 $0x280  }
0x28: {  	[spmem:s2] =	stream.indirect.scatter.add.f32 [tilespmem:s12], [sflag:$0x1], $0x10, s29, s11, $0xb8;
	[tilespmem:$0x5800] =	vst v63  }
0x29: {  	s30 =	simm.s32 $0x300  }
0x2a: {  	[spmem:s2] =	stream.indirect.scatter.add.f32 [tilespmem:s12], [sflag:$0x1], $0x10, s30, s11, $0xb8;
	[tilespmem:$0x5800] =	vst v63  }
0x2b: {  	s31 =	simm.s32 $0x380  }
0x2c: {  	[spmem:s2] =	stream.indirect.scatter.add.f32 [tilespmem:s12], [sflag:$0x1], $0x10, s31, s11, $0xb8;
	[tilespmem:$0x5800] =	vst v63  }
0x2d: {  	_ =	swait.ge [sflag:s13], $0x800  }
0x2e: {  	[sflag:s13] =	ssyncset.done $0x0  }
0x2f: {  	[sflag:s13] =	ssyncadd.s32 $0xFFFFF800  }
0x30: {  	_ =	swait.ge [sflag:s13], $0x800  }
0x31: {  	[sflag:s13] =	ssyncset.done $0x0  }
0x32: {  	[sflag:s13] =	ssyncadd.s32 $0xFFFFF800  }
0x33: {  	_ =	swait.ge [sflag:s13], $0x800  }
0x34: {  	[sflag:s13] =	ssyncset.done $0x0  }
0x35: {  	[sflag:s13] =	ssyncadd.s32 $0xFFFFF800  }
0x36: {  	_ =	swait.ge [sflag:s13], $0x800  }
0x37: {  	[sflag:s13] =	ssyncset.done $0x0  }
0x38: {  	[sflag:s13] =	ssyncadd.s32 $0xFFFFF800  }
0x39: {  	_ =	swait.ge [sflag:s13], $0x800  }
0x3a: {  	[sflag:s13] =	ssyncset.done $0x0  }
0x3b: {  	[sflag:s13] =	ssyncadd.s32 $0xFFFFF800  }
0x3c: {  	_ =	swait.ge [sflag:s13], $0x800  }
0x3d: {  	[sflag:s13] =	ssyncset.done $0x0  }
0x3e: {  	[sflag:s13] =	ssyncadd.s32 $0xFFFFF800  }
0x3f: {  	_ =	swait.ge [sflag:s13], $0x800  }
0x40: {  	[sflag:s13] =	ssyncset.done $0x0  }
0x41: {  	[sflag:s13] =	ssyncadd.s32 $0xFFFFF800  }
0x42: {  	_ =	swait.ge [sflag:s13], $0x800  }
0x43: {  	s17 =	simm.s32 $0x2000;
	s15 =	simm.s32 $0x1000;
	[sflag:s13] =	ssyncset.done $0x0  }
.LBB2_4:
0x44: {  	s18 =	sshra.s32 s15, $0x2  }
0x45: {  	[sflag:s13] =	ssyncadd.s32 $0xFFFFF800;
	s15 =	smov.u32 s17;
	s16 =	sadd.s32 $0x1000, s17  }
0x46: {  	[spmem:s2] =	stream.indirect.scatter.add.f32 [tilespmem:s12], [sflag:$0x1], $0x10, s18, s11, $0xb8;
	[tilespmem:$0x5800] =	vst v63  }
0x47: {  	p0 =	sne.s32 s17, $0x9000;
	s17 =	sadd.s32 $0x80, s18  }
0x48: {  	[spmem:s2] =	stream.indirect.scatter.add.f32 [tilespmem:s12], [sflag:$0x1], $0x10, s17, s11, $0xb8;
	[tilespmem:$0x5800] =	vst v63  }
0x49: {  	s17 =	sadd.s32 $0x100, s18  }
0x4a: {  	[spmem:s2] =	stream.indirect.scatter.add.f32 [tilespmem:s12], [sflag:$0x1], $0x10, s17, s11, $0xb8;
	[tilespmem:$0x5800] =	vst v63  }
0x4b: {  	s17 =	sadd.s32 $0x180, s18  }
0x4c: {  	[spmem:s2] =	stream.indirect.scatter.add.f32 [tilespmem:s12], [sflag:$0x1], $0x10, s17, s11, $0xb8;
	[tilespmem:$0x5800] =	vst v63  }
0x4d: {  	s17 =	sadd.s32 $0x200, s18  }
0x4e: {  	[spmem:s2] =	stream.indirect.scatter.add.f32 [tilespmem:s12], [sflag:$0x1], $0x10, s17, s11, $0xb8;
	[tilespmem:$0x5800] =	vst v63  }
0x4f: {  	s17 =	sadd.s32 $0x280, s18  }
0x50: {  	[spmem:s2] =	stream.indirect.scatter.add.f32 [tilespmem:s12], [sflag:$0x1], $0x10, s17, s11, $0xb8;
	[tilespmem:$0x5800] =	vst v63  }
0x51: {  	s17 =	sadd.s32 $0x300, s18  }
0x52: {  	[spmem:s2] =	stream.indirect.scatter.add.f32 [tilespmem:s12], [sflag:$0x1], $0x10, s17, s11, $0xb8;
	[tilespmem:$0x5800] =	vst v63  }
0x53: {  	s17 =	sadd.s32 $0x380, s18  }
0x54: {  	[spmem:s2] =	stream.indirect.scatter.add.f32 [tilespmem:s12], [sflag:$0x1], $0x10, s17, s11, $0xb8;
	[tilespmem:$0x5800] =	vst v63  }
0x55: {  	_ =	swait.ge [sflag:s13], $0x800  }
0x56: {  	[sflag:s13] =	ssyncset.done $0x0  }
0x57: {  	[sflag:s13] =	ssyncadd.s32 $0xFFFFF800  }
0x58: {  	_ =	swait.ge [sflag:s13], $0x800  }
0x59: {  	[sflag:s13] =	ssyncset.done $0x0  }
0x5a: {  	[sflag:s13] =	ssyncadd.s32 $0xFFFFF800  }
0x5b: {  	_ =	swait.ge [sflag:s13], $0x800  }
0x5c: {  	[sflag:s13] =	ssyncset.done $0x0  }
0x5d: {  	[sflag:s13] =	ssyncadd.s32 $0xFFFFF800  }
0x5e: {  	_ =	swait.ge [sflag:s13], $0x800  }
0x5f: {  	[sflag:s13] =	ssyncset.done $0x0  }
0x60: {  	[sflag:s13] =	ssyncadd.s32 $0xFFFFF800  }
0x61: {  	_ =	swait.ge [sflag:s13], $0x800  }
0x62: {  	[sflag:s13] =	ssyncset.done $0x0  }
0x63: {  	[sflag:s13] =	ssyncadd.s32 $0xFFFFF800  }
0x64: {  	_ =	swait.ge [sflag:s13], $0x800  }
0x65: {  	[sflag:s13] =	ssyncset.done $0x0  }
0x66: {  	[sflag:s13] =	ssyncadd.s32 $0xFFFFF800  }
.Ltmp1:
0x67: {  	_ =	swait.ge [sflag:s13], $0x800;
	(pc) =	sbr.rel @p0 .LBB2_4-.Ltmp1, $4  }
0x68: {  	[sflag:s13] =	ssyncset.done $0x0  }
0x69: {  	[sflag:s13] =	ssyncadd.s32 $0xFFFFF800  }
0x6a: {  	_ =	swait.ge [sflag:s13], $0x800  }
0x6b: {  	s17 =	smov.u32 s16;
	[sflag:s13] =	ssyncset.done $0x0  }
0x6c: {  	s15 =	sshra.s32 s15, $0x2;
	[sflag:s13] =	ssyncadd.s32 $0xFFFFF800  }
0x6d: {  	[spmem:s2] =	stream.indirect.scatter.add.f32 [tilespmem:s12], [sflag:$0x1], $0x10, s15, s11, $0xb8;
	[tilespmem:$0x5800] =	vst v63  }
0x6e: {  	s16 =	sadd.s32 $0x80, s15  }
0x6f: {  	[spmem:s2] =	stream.indirect.scatter.add.f32 [tilespmem:s12], [sflag:$0x1], $0x10, s16, s11, $0xb8;
	[tilespmem:$0x5800] =	vst v63  }
0x70: {  	s26 =	sadd.s32 $0x100, s15  }
0x71: {  	[spmem:s2] =	stream.indirect.scatter.add.f32 [tilespmem:s12], [sflag:$0x1], $0x10, s26, s11, $0xb8;
	[tilespmem:$0x5800] =	vst v63  }
0x72: {  	s28 =	sadd.s32 $0x180, s15  }
0x73: {  	[spmem:s2] =	stream.indirect.scatter.add.f32 [tilespmem:s12], [sflag:$0x1], $0x10, s28, s11, $0xb8;
	[tilespmem:$0x5800] =	vst v63  }
0x74: {  	s29 =	sadd.s32 $0x200, s15  }
0x75: {  	[spmem:s2] =	stream.indirect.scatter.add.f32 [tilespmem:s12], [sflag:$0x1], $0x10, s29, s11, $0xb8;
	[tilespmem:$0x5800] =	vst v63  }
0x76: {  	s30 =	sadd.s32 $0x280, s15  }
0x77: {  	[spmem:s2] =	stream.indirect.scatter.add.f32 [tilespmem:s12], [sflag:$0x1], $0x10, s30, s11, $0xb8;
	[tilespmem:$0x5800] =	vst v63  }
0x78: {  	s31 =	sadd.s32 $0x300, s15  }
0x79: {  	[spmem:s2] =	stream.indirect.scatter.add.f32 [tilespmem:s12], [sflag:$0x1], $0x10, s31, s11, $0xb8;
	[tilespmem:$0x5800] =	vst v63  }
0x7a: {  	s15 =	sadd.s32 $0x380, s15  }
0x7b: {  	[spmem:s2] =	stream.indirect.scatter.add.f32 [tilespmem:s12], [sflag:$0x1], $0x10, s15, s11, $0xb8;
	[tilespmem:$0x5800] =	vst v63  }
0x7c: {  	_ =	swait.ge [sflag:s13], $0x800  }
0x7d: {  	[sflag:s13] =	ssyncset.done $0x0  }
0x7e: {  	[sflag:s13] =	ssyncadd.s32 $0xFFFFF800  }
0x7f: {  	_ =	swait.ge [sflag:s13], $0x800  }
0x80: {  	[sflag:s13] =	ssyncset.done $0x0  }
0x81: {  	[sflag:s13] =	ssyncadd.s32 $0xFFFFF800  }
0x82: {  	_ =	swait.ge [sflag:s13], $0x800  }
0x83: {  	[sflag:s13] =	ssyncset.done $0x0  }
0x84: {  	[sflag:s13] =	ssyncadd.s32 $0xFFFFF800  }
0x85: {  	_ =	swait.ge [sflag:s13], $0x800  }
0x86: {  	[sflag:s13] =	ssyncset.done $0x0  }
0x87: {  	[sflag:s13] =	ssyncadd.s32 $0xFFFFF800  }
0x88: {  	_ =	swait.ge [sflag:s13], $0x800  }
0x89: {  	[sflag:s13] =	ssyncset.done $0x0  }
0x8a: {  	[sflag:s13] =	ssyncadd.s32 $0xFFFFF800  }
0x8b: {  	_ =	swait.ge [sflag:s13], $0x800  }
0x8c: {  	[sflag:s13] =	ssyncset.done $0x0  }
0x8d: {  	[sflag:s13] =	ssyncadd.s32 $0xFFFFF800  }
0x8e: {  	_ =	swait.ge [sflag:s13], $0x800  }
0x8f: {  	[sflag:s13] =	ssyncset.done $0x0  }
0x90: {  	[sflag:s13] =	ssyncadd.s32 $0xFFFFF800  }
0x91: {  	_ =	swait.ge [sflag:s13], $0x800  }
0x92: {  	s14 =	sadd.s32 $0x1, s14;
	[sflag:s13] =	ssyncset.done $0x0  }
0x93: {  	p0 =	sne.s32 s14, s7;
	[sflag:s13] =	ssyncadd.s32 $0xFFFFF800  }
.Ltmp2:
0x94: {  	[bflag:$0x0] =	sbarrier.arrive $0xFFFF;
	(pc) =	sbr.rel @p0 .LBB2_1-.Ltmp2, $4  }
0x95: {  	[hbm:s6], [sflag:s9] =	dma.local [spmem:s10], $0x500  }
0x96: {  	_ =	swait.ge [sflag:s8], $0x500  }
0x97: {  	[sflag:s8] =	ssyncset.done $0x0  }
0x98: {  	[sflag:s8] =	ssyncadd.s32 $0xFFFFFB00  }
0x99: {  	_ =	sfence.sel $0x180000  }
0x9a: {  	[bflag:$0x0] =	sbarrier.arrive $0xFFFF  }
0x9b: {  	p0 =	sne.s32 s1, $0x0;
	_ =	strace $0x90000047  }
0x9c: {  	s0 =	sadd.s32 @!p0 $0x100000, s0;
	[bflag:$0x2] =	sbarrier.arrive $0xFFFF  }
0x9d: {  	[sflag:s0] =	ssyncadd.tile.s32 @!p0 $0x1;
	_ =	shalt  }
.Lfunc_end2:
_tile_overlayer_lowered:
.L_overlay_start_2:
0x9e: {  	(tag) =	ssettag $0x2  }
0x9f: {  	s0 =	rddreg [dreg:$0x0];
	s2 =	stileid.u32  }
0xa0: {  	s1 =	rddreg [dreg:$0x1];
	p0 =	sne.s32 s2, $0x0  }
0xa1: {  	s3 =	rddreg [dreg:$0x2];
	[bflag:$0x3] =	sbarrier.arrive $0xFFFF;
	s2 =	simm.s32 @!p0 $0x1C02  }
0xa2: {  	[timem:s3], [sflag:s2] =	dma.local @!p0 [hbm:s0], s1  }
0xa3: {  	s0 =	simm.s32 @!p0 $0x2  }
0xa4: {  	_ =	swait.ge @!p0 [sflag:s0], s1  }
0xa5: {  	s1 =	ssub.s32 @!p0 $0x0, s1;
	[sflag:s0] =	ssyncset.done @!p0 $0x0  }
0xa6: {  	[sflag:s0] =	ssyncadd.s32 @!p0 s1  }
0xa7: {  	[bflag:$0x3] =	sbarrier.arrive $0xFFFF  }
0xa8: {  	_ =	shalt  }

// kernel: kernel.9.cloned.1.call-start
scs
__scs_entry_jumppad:
0x0: {  	(pc) =	sbr.rel $0x88, $3  }
0x1: {  	(tag) =	ssettag $0x0;
	lr =	simm.s32 $0x1  }
0x2: {  	[smem:$0x3F9D] =	sst lr;
	_ =	strace $0xD0000000  }
0x3: {  	_ = 	snop  }
0x4: {  	_ = 	snop  }
0x5: {  	_ = 	snop  }
0x6: {  	_ = 	snop  }
0x7: {  	_ = 	snop  }
__scs_overlays_trampoline_lowered:
0x8: {  	[smem:$0x3FAC] =	sst s0  }
0x9: {  	[smem:$0x3FAD] =	sst s1  }
0xa: {  	[smem:$0x3FAE] =	sst s2  }
0xb: {  	[smem:$0x3FAF] =	sst s3  }
0xc: {  	[smem:$0x3FB0] =	sst s4  }
0xd: {  	[smem:$0x3FB1] =	sst s5  }
0xe: {  	[smem:$0x3FB2] =	sst s6  }
0xf: {  	[smem:$0x3FB3] =	sst s7  }
0x10: {  	[smem:$0x3FB4] =	sst s8  }
0x11: {  	[smem:$0x3FB5] =	sst s9;
	s0 =	simm.s32 @!p0 $0x0  }
0x12: {  	s1 =	sld [smem:$0x3F9B];
	s0 =	simm.s32 @p0 $0x1  }
0x13: {  	[smem:$0x3FB6] =	sst s0;
	s0 =	simm.s32 @!p1 $0x0  }
0x14: {  	s2 =	sld [smem:$0x3F9A];
	s0 =	simm.s32 @p1 $0x1  }
0x15: {  	[smem:$0x3FB7] =	sst s0;
	s0 =	simm.s32 @!p2 $0x0  }
0x16: {  	s3 =	sld [smem:$0x3FDB];
	s0 =	simm.s32 @p2 $0x1  }
0x17: {  	s4 =	simm.s32 $0x1BF5;
	[smem:$0x3FB9] =	sst s0  }
0x18: {  	s0 =	sld [smem:$0x3F9C];
	_ =	swait.ge [sflag:s4], $0x0  }
0x19: {  	s7 =	sld [smem:$0x3F9D]  }
0x1a: {  	s8 =	sadd.s32 $0xFFFFE003, lr  }
0x1b: {  	s9 =	sadd.s32 $0xFFFFFEF7, lr;
	s5 =	simm.s32 $0xFFFFFFFF;
	p2 =	slt.u32 s8, $0xFFFFF086  }
0x1c: {  	p1 =	slt.u32 s9, $0xF7A;
	s5 =	simm.s32 @!p2 $0x0  }
0x1d: {  	s5 =	simm.s32 @p1 $0x1;
	p0 =	seq.s32 s7, s2  }
0x1e: {  	s7 =	smul.u32 @!p0 $0xF7A, s2;
	p2 =	seq.s32 @!p0 s5, $0x0  }
0x1f: {  	s9 =	smul.u32 $0xF7A, s1;
	s8 =	simm.s32 @!p0 $0x1BF5;
	p2 =	por !p2, p0  }
0x20: {  	[sflag:s8] =	ssyncset.s32 @!p0 $0xFFFFF086;
	s6 =	sadd.s32 @!p0 s3, s7;
	s7 =	simm.s32 @!p0 $0x108  }
0x21: {  	s3 =	sadd.s32 s3, s9;
	s6 =	sadd.s32 @!p0 $0x88, s6;
	s7 =	simm.s32 @p2 $0x1082  }
0x22: {  	[simem:s7], [sflag:s8] =	dma.local @!p0 [hbm:s6], $0xF7A  }
0x23: {  	s9 =	sor.u32 $0xD0000000, s2;
	s6 =	simm.s32 $0x108;
	_ =	swait.ge @!p0 [sflag:s8], $0x0  }
0x24: {  	s3 =	sadd.s32 $0x88, s3;
	s6 =	simm.s32 @!p1 $0x1082;
	[sflag:s4] =	ssyncset.s32 $0xFFFFF086  }
0x25: {  	[simem:s6], [sflag:s4] =	dma.local [hbm:s3], $0xF7A  }
0x26: {  	[smem:$0x3F9D] =	sst s1;
	(tag) =	ssettag s2;
	_ =	strace s9  }
0x27: {  	s1 =	sld [smem:$0x3FAD]  }
0x28: {  	s2 =	sld [smem:$0x3FAE]  }
0x29: {  	s4 =	sld [smem:$0x3FB0]  }
0x2a: {  	p0 =	seq.s32 s5, $0x0;
	s5 =	sld [smem:$0x3FB1]  }
0x2b: {  	s6 =	sld [smem:$0x3FB2]  }
0x2c: {  	s7 =	sld [smem:$0x3FB3]  }
0x2d: {  	s3 =	simm.s32 $0x108;
	s8 =	sld [smem:$0x3FB4]  }
0x2e: {  	s3 =	simm.s32 @!p0 $0x1082;
	s9 =	sld [smem:$0x3FB5]  }
0x2f: {  	lr =	sadd.s32 s0, s3;
	s0 =	sld [smem:$0x3FAC]  }
0x30: {  	s3 =	sld [smem:$0x3FAF]  }
0x31: {  	[smem:$0x3FB8] =	sst s10  }
0x32: {  	s10 =	sld [smem:$0x3FB6];
	_ =	sdelay $0x3  }
0x33: {  	p0 =	seq.s32 s10, $0x1;
	s10 =	sld [smem:$0x3FB8];
	_ =	sdelay $0x3  }
0x34: {  	[smem:$0x3FB8] =	sst s10  }
0x35: {  	s10 =	sld [smem:$0x3FB7];
	_ =	sdelay $0x3  }
0x36: {  	p1 =	seq.s32 s10, $0x1;
	s10 =	sld [smem:$0x3FB8];
	_ =	sdelay $0x3  }
0x37: {  	[smem:$0x3FB8] =	sst s10  }
0x38: {  	s10 =	sld [smem:$0x3FB9]  }
0x39: {  	_ = 	snop;
	(pc) =	sbr.ind lr, $3  }
0x3a: {  	_ = 	snop  }
0x3b: {  	_ = 	snop  }
0x3c: {  	p2 =	seq.s32 s10, $0x1;
	s10 =	sld [smem:$0x3FB8]  }
0x3d: {  	_ =	shalt  }
0x3e: {  	_ =	shalt  }
0x3f: {  	_ =	shalt  }
0x40: {  	_ =	shalt  }
0x41: {  	_ =	shalt  }
0x42: {  	_ =	shalt  }
0x43: {  	_ =	shalt  }
0x44: {  	_ =	shalt  }
0x45: {  	_ =	shalt  }
0x46: {  	_ =	shalt  }
0x47: {  	_ =	shalt  }
0x48: {  	_ =	shalt  }
0x49: {  	_ =	shalt  }
0x4a: {  	_ =	shalt  }
0x4b: {  	_ =	shalt  }
0x4c: {  	_ =	shalt  }
0x4d: {  	_ =	shalt  }
0x4e: {  	_ =	shalt  }
0x4f: {  	_ =	shalt  }
0x50: {  	_ =	shalt  }
0x51: {  	_ =	shalt  }
0x52: {  	_ =	shalt  }
0x53: {  	_ =	shalt  }
0x54: {  	_ =	shalt  }
0x55: {  	_ =	shalt  }
0x56: {  	_ =	shalt  }
0x57: {  	_ =	shalt  }
0x58: {  	_ =	shalt  }
0x59: {  	_ =	shalt  }
0x5a: {  	_ =	shalt  }
0x5b: {  	_ =	shalt  }
0x5c: {  	_ =	shalt  }
0x5d: {  	_ =	shalt  }
0x5e: {  	_ =	shalt  }
0x5f: {  	_ =	shalt  }
0x60: {  	_ =	shalt  }
0x61: {  	_ =	shalt  }
0x62: {  	_ =	shalt  }
0x63: {  	_ =	shalt  }
0x64: {  	_ =	shalt  }
0x65: {  	_ =	shalt  }
0x66: {  	_ =	shalt  }
0x67: {  	_ =	shalt  }
0x68: {  	_ =	shalt  }
0x69: {  	_ =	shalt  }
0x6a: {  	_ =	shalt  }
0x6b: {  	_ =	shalt  }
0x6c: {  	_ =	shalt  }
0x6d: {  	_ =	shalt  }
0x6e: {  	_ =	shalt  }
0x6f: {  	_ =	shalt  }
0x70: {  	_ =	shalt  }
0x71: {  	_ =	shalt  }
0x72: {  	_ =	shalt  }
0x73: {  	_ =	shalt  }
0x74: {  	_ =	shalt  }
0x75: {  	_ =	shalt  }
0x76: {  	_ =	shalt  }
0x77: {  	_ =	shalt  }
0x78: {  	_ =	shalt  }
0x79: {  	_ =	shalt  }
0x7a: {  	_ =	shalt  }
0x7b: {  	_ =	shalt  }
0x7c: {  	_ =	shalt  }
0x7d: {  	_ =	shalt  }
0x7e: {  	_ =	shalt  }
0x7f: {  	_ =	shalt  }
0x80: {  	_ =	shalt  }
0x81: {  	_ =	shalt  }
0x82: {  	_ =	shalt  }
0x83: {  	_ =	shalt  }
0x84: {  	_ =	shalt  }
0x85: {  	_ =	shalt  }
0x86: {  	_ =	shalt  }
0x87: {  	_ =	shalt  }
.Lfunc_end0:
.L_simem_size_0:
called_computation.1_lowered:
.L_overlay_start_0:
0x88: {  	s2 =	sld [smem:$0x3FD9]  }
0x89: {  	s3 =	sld [smem:$0x3FFE];
	_ =	sdelay $0x1  }
0x8a: {  	s1 =	srdreg.scid  }
0x8b: {  	s0 =	sand.u32 $0x1, s1  }
0x8c: {  	s17 =	sshll.u32 s0, $0xA;
	s2 =	sadd.s32 s3, s2  }
0x8d: {  	s2 =	sadd.s32 s2, s17  }
0x8e: {  	[smem:$0x3FC4] =	sst s2  }
0x8f: {  	_ = 	snop  }
0x90: {  	s2 =	sld [smem:$0x3FD0];
	(tm) =	ssettm $0x1  }
0x91: {  	s18 =	sld [smem:$0x3FFB];
	_ =	sdelay $0x3  }
0x92: {  	_ =	strace s18  }
0x93: {  	s3 =	sld [smem:$0x3FFC];
	_ =	sdelay $0x3  }
0x94: {  	_ =	strace s3  }
0x95: {  	s3 =	sld [smem:$0x3FFD];
	_ =	sdelay $0x3  }
0x96: {  	_ =	strace s3  }
0x97: {  	_ =	strace $0x8FFFFFFF  }
0x98: {  	s19 =	sld [smem:$0x3FDB];
	_ =	sdelay $0x1  }
0x99: {  	s4 =	simm.s32 $_scs_section_size  }
0x9a: {  	s5 =	simm.s32 $_size__tile_overlayer_lowered;
	s6 =	simm.s32 $_tile_overlayer_lowered  }
0x9b: {  	s22 =	simm.s32 $0x1BFF;
	s21 =	sshll.u32 s6, $0x1;
	s3 =	sadd.s32 s4, s19  }
0x9c: {  	s7 =	simm.s32 $0x0;
	s20 =	sshll.u32 s5, $0x1;
	s5 =	sadd.s32 s21, s3  }
0x9d: {  	[timem:s7], [sflag:s22] =	dma.local [hbm:s5], s20  }
0x9e: {  	_ =	swait.ge [sflag:s22], s20  }
0x9f: {  	s4 =	ssub.s32 $0x0, s20;
	[sflag:s22] =	ssyncset.done $0x0  }
0xa0: {  	[sflag:s22] =	ssyncadd.s32 s4;
	_ =	sdelay $0x1  }
0xa1: {  	s23 =	simm.s32 $0x1B8B  }
0xa2: {  	_ =	swait.ge [sflag:s23], $0x1  }
0xa3: {  	[sflag:s23] =	ssyncset.done $0x0  }
0xa4: {  	s25 =	simm.s32 $0x1B8E;
	s24 =	sld [smem:$0x3FFE];
	[sflag:s23] =	ssyncadd.s32 $0xFFFFFFFF  }
0xa5: {  	s26 =	simm.s32 $execute0_lowered;
	[smem:$0x3FD2] =	sst s25  }
0xa6: {  	s5 =	sshll.u32 s26, $0x1;
	_ =	strace $0x80000049;
	[dreg:$0x1] =	wrdreg $0xFFFFFFFF  }
0xa7: {  	s28 =	simm.s32 $_size_execute0_lowered;
	s3 =	sadd.s32 s3, s5;
	[dreg:$0x0] =	wrdreg $0x0  }
0xa8: {  	s5 =	sshll.u32 s28, $0x1;
	[dreg:$0x2] =	wrdreg s3  }
0xa9: {  	[dreg:$0x3] =	wrdreg s5  }
0xaa: {  	[dreg:$0x4] =	wrdreg $0xC0  }
0xab: {  	_ =	task [dreg:s7], $0x5FFFF  }
0xac: {  	[dreg:$0x1] =	wrdreg $0xFFFFFFFF  }
0xad: {  	[dreg:$0x0] =	wrdreg $0x60  }
0xae: {  	[dreg:$0x2] =	wrdreg s24  }
0xaf: {  	[dreg:$0x3] =	wrdreg s2  }
0xb0: {  	[dreg:$0x4] =	wrdreg $0x15D000  }
0xb1: {  	[dreg:$0x5] =	wrdreg $0x9  }
0xb2: {  	_ =	task.clear_ibuf [dreg:s7], $0x6FFFF;
	_ =	strace $0x90000049  }
0xb3: {  	s29 =	simm.s32 $0x9;
	_ =	strace $0x8000004B  }
0xb4: {  	_ =	swait.ge [sflag:s29], $0x1  }
0xb5: {  	[sflag:s29] =	ssyncadd.s32 $0xFFFFFFFF  }
0xb6: {  	_ =	strace $0x9000004B  }
0xb7: {  	_ =	sfence  }
0xb8: {  	s30 =	sld [smem:$0x0];
	_ =	sdelay $0x2  }
0xb9: {  	s31 =	sshll.u32 s1, $0xD;
	s1 =	sshrl.u32 s1, $0x2  }
0xba: {  	s3 =	sand.u32 $0x4000, s31;
	s1 =	sadd.s32 s1, s30  }
0xbb: {  	s0 =	sor.u32 s3, s0;
	s1 =	sshll.u32 s1, $0x11  }
0xbc: {  	s0 =	sor.u32 s1, s0  }
0xbd: {  	s0 =	sadd.s32 $0x8F2B, s0  }
0xbe: {  	[sflag:s0] =	ssyncadd.remote.s32 $0x1  }
0xbf: {  	_ =	sfence.sel $0xFFFF  }
0xc0: {  	[dreg:$0x0] =	wrdreg $0xFFFFFFFF;
	(pc) =	sbr.abs _section_cstart, $3  }
0xc1: {  	[dreg:$0x1] =	wrdreg $0xFFFFFFFF  }
0xc2: {  	_ =	task.clear_ibuf [dreg:s7], $0x2FFFF;
	_ =	strace $0x9FFFFFFF  }
0xc3: {  	(tm) =	ssettm $0x7FFFFFFF  }
tec
execute0_lowered:
.L_overlay_start_1:
0x0: {  	(tag) =	ssettag $0x1  }
0x1: {  	s0 =	rddreg [dreg:$0x0]  }
0x2: {  	s1 =	rddreg [dreg:$0x1]  }
0x3: {  	s2 =	rddreg [dreg:$0x2]  }
0x4: {  	s10 =	stileid.u32;
	s5 =	srdreg.scid  }
0x5: {  	s3 =	simm.s32 $0x0;
	s14 =	simm.s32 $0x80;
	s15 =	simm.s32 $0x9D00  }
0x6: {  	s16 =	simm.s32 $0xBD00;
	s18 =	simm.s32 $0xDD00;
	s20 =	simm.s32 $0xFD00  }
0x7: {  	s28 =	simm.s32 $0x3;
	s29 =	simm.s32 $0x4;
	s30 =	simm.s32 $0x5  }
0x8: {  	s31 =	simm.s32 $0x6;
	s11 =	simm.s32 $0x9;
	s17 =	simm.s32 $0xA  }
0x9: {  	s19 =	simm.s32 $0xB;
	s21 =	simm.s32 $0xC;
	s4 =	smul.u32 $0x9D0, s10  }
0xa: {  	s6 =	smul.u32 $0xA000, s10;
	s5 =	sand.u32 $0x1, s5;
	[smem:$0x7FF] =	sst s3  }
0xb: {  	s26 =	sshll.u32 s10, $0x6;
	s10 =	simm.s32 $0xD;
	s7 =	smul.u32 $0xA0000, s5  }
0xc: {  	_ =	strace $0x8000004A;
	s9 =	ssub.s32 $0x2, s5;
	s5 =	smul.u32 $0x13880, s5  }
0xd: {  	s12 =	sor.u32 $0x1C0D, s26;
	s26 =	simm.s32 $0x2;
	s4 =	sadd.s32 s4, s0  }
0xe: {  	s8 =	sshrl.u32 s6, $0x3;
	s22 =	sshrl.u32 s9, $0x1;
	s24 =	sadd.s32 s6, s2  }
0xf: {  	s7 =	sadd.s32 s6, s7;
	s8 =	sadd.s32 s8, s0;
	s9 =	ssub.s32 s9, s22  }
0x10: {  	s23 =	sadd.s32 $0x19E00, s4;
	s4 =	sadd.s32 $0x10000, s4;
	s13 =	sshrl.u32 s24, $0x3  }
0x11: {  	s22 =	simm.s32 $0x11D00;
	s24 =	simm.s32 $0x13D00;
	[dreg:$0x4] =	wrdreg s23  }
0x12: {  	s7 =	sshrl.u32 s7, $0x3;
	[dreg:$0x5] =	wrdreg s4;
	s25 =	sadd.s32 $0x73C00, s8  }
0x13: {  	s9 =	smax.u32 s9, $0x1;
	s23 =	simm.s32 $0x0;
	s0 =	sadd.s32 s7, s0  }
0x14: {  	[dreg:$0x6] =	wrdreg s25;
	s7 =	sadd.s32 s1, s5;
	s25 =	simm.s32 $0x1  }
0x15: {  	s1 =	simm.s32 $0x8;
	s8 =	sadd.s32 $0x87C00, s0;
	s0 =	simm.s32 $0x7  }
.LBB2_1:
0x16: {  	s4 =	rddreg [dreg:$0x4]  }
0x17: {  	[tilespmem:s3], [sflag:$0xD] =	stream.linear.gather [hbm4b:s4+s3], $0x4E80, $0x38;
	[tilespmem:$0x1FD00] =	vst v63  }
0x18: {  	_ =	swait.ge [sflag:s10], $0x4E80  }
0x19: {  	[sflag:s10] =	ssyncset.done $0x0  }
0x1a: {  	s5 =	simm.s32 $0x4E80;
	s6 =	rddreg [dreg:$0x5];
	[sflag:s10] =	ssyncadd.s32 $0xFFFFB180  }
0x1b: {  	[tilespmem:s5], [sflag:$0xD] =	stream.linear.gather [hbm4b:s6+s3], $0x4E80, $0x38;
	[tilespmem:$0x1FD00] =	vst v63  }
0x1c: {  	_ =	swait.ge [sflag:s10], $0x4E80  }
0x1d: {  	[sflag:s10] =	ssyncset.done $0x0  }
0x1e: {  	s5 =	rddreg [dreg:$0x6];
	[sflag:s10] =	ssyncadd.s32 $0xFFFFB180  }
0x1f: {  	[spmem:s13], [sflag:s12] =	dma.local [hbm:s5], $0x1400  }
0x20: {  	_ =	swait.ge [sflag:s10], $0x1400  }
0x21: {  	[sflag:s10] =	ssyncset.done $0x0  }
0x22: {  	[sflag:s10] =	ssyncadd.s32 $0xFFFFEC00  }
0x23: {  	[bflag:$0x0] =	sbarrier.arrive $0xFFFF  }
0x24: {  	[tilespmem:s15], [sflag:$0x1] =	stream.indirect.gather [hbm4b:s7+s14], $0x40, s3, s14, $0xb8;
	[tilespmem:$0x1FD00] =	vst v63  }
0x25: {  	_ = 	snop  }
0x26: {  	[tilespmem:s16], [sflag:$0x2] =	stream.indirect.gather [hbm4b:s7+s14], $0x40, s14, s14, $0xb8;
	[tilespmem:$0x1FD00] =	vst v63  }
0x27: {  	s6 =	simm.s32 $0x100  }
0x28: {  	[tilespmem:s18], [sflag:$0x3] =	stream.indirect.gather [hbm4b:s7+s14], $0x40, s6, s14, $0xb8;
	[tilespmem:$0x1FD00] =	vst v63  }
0x29: {  	s5 =	simm.s32 $0x180  }
0x2a: {  	[tilespmem:s20], [sflag:$0x4] =	stream.indirect.gather [hbm4b:s7+s14], $0x40, s5, s14, $0xb8;
	[tilespmem:$0x1FD00] =	vst v63  }
0x2b: {  	s6 =	simm.s32 $0x200  }
0x2c: {  	[tilespmem:s22], [sflag:$0x5] =	stream.indirect.gather [hbm4b:s7+s14], $0x40, s6, s14, $0xb8;
	[tilespmem:$0x1FD00] =	vst v63  }
0x2d: {  	s5 =	simm.s32 $0x280  }
0x2e: {  	[tilespmem:s24], [sflag:$0x6] =	stream.indirect.gather [hbm4b:s7+s14], $0x40, s5, s14, $0xb8;
	[tilespmem:$0x1FD00] =	vst v63  }
0x2f: {  	_ =	swait.ge [sflag:s25], $0x2000  }
0x30: {  	[sflag:s25] =	ssyncset.done $0x0  }
0x31: {  	s6 =	simm.s32 $0x4E80;
	[sflag:s25] =	ssyncadd.s32 $0xFFFFE000  }
0x32: {  	[spmem:s2] =	stream.indirect.scatter.add.f32 [tilespmem:s15], [sflag:$0x7], $0x40, s6, s14, $0xb8;
	[tilespmem:$0x1FD00] =	vst v63  }
0x33: {  	_ =	swait.ge [sflag:s26], $0x2000  }
0x34: {  	[sflag:s26] =	ssyncset.done $0x0  }
0x35: {  	s5 =	simm.s32 $0x4F00;
	[sflag:s26] =	ssyncadd.s32 $0xFFFFE000  }
0x36: {  	[spmem:s2] =	stream.indirect.scatter.add.f32 [tilespmem:s16], [sflag:$0x8], $0x40, s5, s14, $0xb8;
	[tilespmem:$0x1FD00] =	vst v63  }
0x37: {  	_ =	swait.ge [sflag:s28], $0x2000  }
0x38: {  	[sflag:s28] =	ssyncset.done $0x0  }
0x39: {  	s6 =	simm.s32 $0x4F80;
	[sflag:s28] =	ssyncadd.s32 $0xFFFFE000  }
0x3a: {  	[spmem:s2] =	stream.indirect.scatter.add.f32 [tilespmem:s18], [sflag:$0x9], $0x40, s6, s14, $0xb8;
	[tilespmem:$0x1FD00] =	vst v63  }
0x3b: {  	_ =	swait.ge [sflag:s29], $0x2000  }
0x3c: {  	[sflag:s29] =	ssyncset.done $0x0  }
0x3d: {  	s5 =	simm.s32 $0x5000;
	[sflag:s29] =	ssyncadd.s32 $0xFFFFE000  }
0x3e: {  	[spmem:s2] =	stream.indirect.scatter.add.f32 [tilespmem:s20], [sflag:$0xA], $0x40, s5, s14, $0xb8;
	[tilespmem:$0x1FD00] =	vst v63  }
0x3f: {  	_ =	swait.ge [sflag:s30], $0x2000  }
0x40: {  	[sflag:s30] =	ssyncset.done $0x0  }
0x41: {  	s6 =	simm.s32 $0x5080;
	[sflag:s30] =	ssyncadd.s32 $0xFFFFE000  }
0x42: {  	[spmem:s2] =	stream.indirect.scatter.add.f32 [tilespmem:s22], [sflag:$0xB], $0x40, s6, s14, $0xb8;
	[tilespmem:$0x1FD00] =	vst v63  }
0x43: {  	_ =	swait.ge [sflag:s31], $0x2000  }
0x44: {  	[sflag:s31] =	ssyncset.done $0x0  }
0x45: {  	s5 =	simm.s32 $0x5100;
	[sflag:s31] =	ssyncadd.s32 $0xFFFFE000  }
0x46: {  	[spmem:s2] =	stream.indirect.scatter.add.f32 [tilespmem:s24], [sflag:$0xC], $0x40, s5, s14, $0xb8;
	[tilespmem:$0x1FD00] =	vst v63  }
0x47: {  	_ =	swait.ge [sflag:s0], $0x2000  }
0x48: {  	[sflag:s0] =	ssyncset.done $0x0  }
0x49: {  	s6 =	simm.s32 $0x300;
	[sflag:s0] =	ssyncadd.s32 $0xFFFFE000  }
0x4a: {  	[tilespmem:s15], [sflag:$0x1] =	stream.indirect.gather [hbm4b:s7+s14], $0x40, s6, s14, $0xb8;
	[tilespmem:$0x1FD00] =	vst v63  }
0x4b: {  	_ =	swait.ge [sflag:s1], $0x2000  }
0x4c: {  	[sflag:s1] =	ssyncset.done $0x0  }
0x4d: {  	s5 =	simm.s32 $0x380;
	[sflag:s1] =	ssyncadd.s32 $0xFFFFE000  }
0x4e: {  	[tilespmem:s16], [sflag:$0x2] =	stream.indirect.gather [hbm4b:s7+s14], $0x40, s5, s14, $0xb8;
	[tilespmem:$0x1FD00] =	vst v63  }
0x4f: {  	_ =	swait.ge [sflag:s11], $0x2000  }
0x50: {  	[sflag:s11] =	ssyncset.done $0x0  }
0x51: {  	s6 =	simm.s32 $0x400;
	[sflag:s11] =	ssyncadd.s32 $0xFFFFE000  }
0x52: {  	[tilespmem:s18], [sflag:$0x3] =	stream.indirect.gather [hbm4b:s7+s14], $0x40, s6, s14, $0xb8;
	[tilespmem:$0x1FD00] =	vst v63  }
0x53: {  	_ =	swait.ge [sflag:s17], $0x2000  }
0x54: {  	[sflag:s17] =	ssyncset.done $0x0  }
0x55: {  	s5 =	simm.s32 $0x480;
	[sflag:s17] =	ssyncadd.s32 $0xFFFFE000  }
0x56: {  	[tilespmem:s20], [sflag:$0x4] =	stream.indirect.gather [hbm4b:s7+s14], $0x40, s5, s14, $0xb8;
	[tilespmem:$0x1FD00] =	vst v63  }
0x57: {  	_ =	swait.ge [sflag:s19], $0x2000  }
0x58: {  	[sflag:s19] =	ssyncset.done $0x0  }
0x59: {  	s6 =	simm.s32 $0x500;
	[sflag:s19] =	ssyncadd.s32 $0xFFFFE000  }
0x5a: {  	[tilespmem:s22], [sflag:$0x5] =	stream.indirect.gather [hbm4b:s7+s14], $0x40, s6, s14, $0xb8;
	[tilespmem:$0x1FD00] =	vst v63  }
0x5b: {  	_ =	swait.ge [sflag:s21], $0x2000  }
0x5c: {  	[sflag:s21] =	ssyncset.done $0x0  }
0x5d: {  	s4 =	simm.s32 $0xC00;
	s5 =	simm.s32 $0x580;
	[sflag:s21] =	ssyncadd.s32 $0xFFFFE000  }
.LBB2_2:
0x5e: {  	[tilespmem:s24], [sflag:$0x6] =	stream.indirect.gather [hbm4b:s7+s14], $0x40, s5, s14, $0xb8;
	[tilespmem:$0x1FD00] =	vst v63  }
0x5f: {  	s5 =	smov.u32 s4  }
0x60: {  	p0 =	sne.s32 s4, $0x12000;
	s4 =	sadd.s32 $0xC00, s4;
	_ =	swait.ge [sflag:s25], $0x2000  }
0x61: {  	s5 =	sshra.s32 s5, $0x2;
	[sflag:s25] =	ssyncset.done $0x0  }
0x62: {  	s6 =	sadd.s32 $0x4E80, s5;
	[sflag:s25] =	ssyncadd.s32 $0xFFFFE000  }
0x63: {  	[spmem:s2] =	stream.indirect.scatter.add.f32 [tilespmem:s15], [sflag:$0x7], $0x40, s6, s14, $0xb8;
	[tilespmem:$0x1FD00] =	vst v63  }
0x64: {  	_ =	swait.ge [sflag:s26], $0x2000  }
0x65: {  	[sflag:s26] =	ssyncset.done $0x0  }
0x66: {  	s6 =	sadd.s32 $0x4F00, s5;
	[sflag:s26] =	ssyncadd.s32 $0xFFFFE000  }
0x67: {  	[spmem:s2] =	stream.indirect.scatter.add.f32 [tilespmem:s16], [sflag:$0x8], $0x40, s6, s14, $0xb8;
	[tilespmem:$0x1FD00] =	vst v63  }
0x68: {  	_ =	swait.ge [sflag:s28], $0x2000  }
0x69: {  	[sflag:s28] =	ssyncset.done $0x0  }
0x6a: {  	s6 =	sadd.s32 $0x4F80, s5;
	[sflag:s28] =	ssyncadd.s32 $0xFFFFE000  }
0x6b: {  	[spmem:s2] =	stream.indirect.scatter.add.f32 [tilespmem:s18], [sflag:$0x9], $0x40, s6, s14, $0xb8;
	[tilespmem:$0x1FD00] =	vst v63  }
0x6c: {  	_ =	swait.ge [sflag:s29], $0x2000  }
0x6d: {  	[sflag:s29] =	ssyncset.done $0x0  }
0x6e: {  	s6 =	sadd.s32 $0x5000, s5;
	[sflag:s29] =	ssyncadd.s32 $0xFFFFE000  }
0x6f: {  	[spmem:s2] =	stream.indirect.scatter.add.f32 [tilespmem:s20], [sflag:$0xA], $0x40, s6, s14, $0xb8;
	[tilespmem:$0x1FD00] =	vst v63  }
0x70: {  	_ =	swait.ge [sflag:s30], $0x2000  }
0x71: {  	[sflag:s30] =	ssyncset.done $0x0  }
0x72: {  	s6 =	sadd.s32 $0x5080, s5;
	[sflag:s30] =	ssyncadd.s32 $0xFFFFE000  }
0x73: {  	[spmem:s2] =	stream.indirect.scatter.add.f32 [tilespmem:s22], [sflag:$0xB], $0x40, s6, s14, $0xb8;
	[tilespmem:$0x1FD00] =	vst v63  }
0x74: {  	_ =	swait.ge [sflag:s31], $0x2000  }
0x75: {  	[sflag:s31] =	ssyncset.done $0x0  }
0x76: {  	s6 =	sadd.s32 $0x5100, s5;
	[sflag:s31] =	ssyncadd.s32 $0xFFFFE000  }
0x77: {  	[spmem:s2] =	stream.indirect.scatter.add.f32 [tilespmem:s24], [sflag:$0xC], $0x40, s6, s14, $0xb8;
	[tilespmem:$0x1FD00] =	vst v63  }
0x78: {  	_ =	swait.ge [sflag:s0], $0x2000  }
0x79: {  	[sflag:s0] =	ssyncset.done $0x0  }
0x7a: {  	s6 =	sadd.s32 $0x300, s5;
	[sflag:s0] =	ssyncadd.s32 $0xFFFFE000  }
0x7b: {  	[tilespmem:s15], [sflag:$0x1] =	stream.indirect.gather [hbm4b:s7+s14], $0x40, s6, s14, $0xb8;
	[tilespmem:$0x1FD00] =	vst v63  }
0x7c: {  	_ =	swait.ge [sflag:s1], $0x2000  }
0x7d: {  	[sflag:s1] =	ssyncset.done $0x0  }
0x7e: {  	s6 =	sadd.s32 $0x380, s5;
	[sflag:s1] =	ssyncadd.s32 $0xFFFFE000  }
0x7f: {  	[tilespmem:s16], [sflag:$0x2] =	stream.indirect.gather [hbm4b:s7+s14], $0x40, s6, s14, $0xb8;
	[tilespmem:$0x1FD00] =	vst v63  }
0x80: {  	_ =	swait.ge [sflag:s11], $0x2000  }
0x81: {  	[sflag:s11] =	ssyncset.done $0x0  }
0x82: {  	s6 =	sadd.s32 $0x400, s5;
	[sflag:s11] =	ssyncadd.s32 $0xFFFFE000  }
0x83: {  	[tilespmem:s18], [sflag:$0x3] =	stream.indirect.gather [hbm4b:s7+s14], $0x40, s6, s14, $0xb8;
	[tilespmem:$0x1FD00] =	vst v63  }
0x84: {  	_ =	swait.ge [sflag:s17], $0x2000  }
0x85: {  	[sflag:s17] =	ssyncset.done $0x0  }
0x86: {  	s6 =	sadd.s32 $0x480, s5;
	[sflag:s17] =	ssyncadd.s32 $0xFFFFE000  }
0x87: {  	[tilespmem:s20], [sflag:$0x4] =	stream.indirect.gather [hbm4b:s7+s14], $0x40, s6, s14, $0xb8;
	[tilespmem:$0x1FD00] =	vst v63  }
0x88: {  	_ =	swait.ge [sflag:s19], $0x2000  }
0x89: {  	[sflag:s19] =	ssyncset.done $0x0  }
.Ltmp0:
0x8a: {  	s6 =	sadd.s32 $0x500, s5;
	[sflag:s19] =	ssyncadd.s32 $0xFFFFE000;
	(pc) =	sbr.rel @p0 .LBB2_2-.Ltmp0, $4  }
0x8b: {  	[tilespmem:s22], [sflag:$0x5] =	stream.indirect.gather [hbm4b:s7+s14], $0x40, s6, s14, $0xb8;
	[tilespmem:$0x1FD00] =	vst v63  }
0x8c: {  	_ =	swait.ge [sflag:s21], $0x2000  }
0x8d: {  	[sflag:s21] =	ssyncset.done $0x0  }
0x8e: {  	s5 =	sadd.s32 $0x580, s5;
	[sflag:s21] =	ssyncadd.s32 $0xFFFFE000  }
0x8f: {  	[tilespmem:s24], [sflag:$0x6] =	stream.indirect.gather [hbm4b:s7+s14], $0x40, s5, s14, $0xb8;
	[tilespmem:$0x1FD00] =	vst v63  }
0x90: {  	_ =	swait.ge [sflag:s25], $0x2000  }
0x91: {  	[sflag:s25] =	ssyncset.done $0x0  }
0x92: {  	s4 =	simm.s32 $0x9980;
	[sflag:s25] =	ssyncadd.s32 $0xFFFFE000  }
0x93: {  	[spmem:s2] =	stream.indirect.scatter.add.f32 [tilespmem:s15], [sflag:$0x7], $0x40, s4, s14, $0xb8;
	[tilespmem:$0x1FD00] =	vst v63  }
0x94: {  	_ =	swait.ge [sflag:s26], $0x2000  }
0x95: {  	[sflag:s26] =	ssyncset.done $0x0  }
0x96: {  	s6 =	simm.s32 $0x9A00;
	[sflag:s26] =	ssyncadd.s32 $0xFFFFE000  }
0x97: {  	[spmem:s2] =	stream.indirect.scatter.add.f32 [tilespmem:s16], [sflag:$0x8], $0x40, s6, s14, $0xb8;
	[tilespmem:$0x1FD00] =	vst v63  }
0x98: {  	_ =	swait.ge [sflag:s28], $0x2000  }
0x99: {  	[sflag:s28] =	ssyncset.done $0x0  }
0x9a: {  	s5 =	simm.s32 $0x9A80;
	[sflag:s28] =	ssyncadd.s32 $0xFFFFE000  }
0x9b: {  	[spmem:s2] =	stream.indirect.scatter.add.f32 [tilespmem:s18], [sflag:$0x9], $0x40, s5, s14, $0xb8;
	[tilespmem:$0x1FD00] =	vst v63  }
0x9c: {  	_ =	swait.ge [sflag:s29], $0x2000  }
0x9d: {  	[sflag:s29] =	ssyncset.done $0x0  }
0x9e: {  	s6 =	simm.s32 $0x9B00;
	[sflag:s29] =	ssyncadd.s32 $0xFFFFE000  }
0x9f: {  	[spmem:s2] =	stream.indirect.scatter.add.f32 [tilespmem:s20], [sflag:$0xA], $0x40, s6, s14, $0xb8;
	[tilespmem:$0x1FD00] =	vst v63  }
0xa0: {  	_ =	swait.ge [sflag:s30], $0x2000  }
0xa1: {  	[sflag:s30] =	ssyncset.done $0x0  }
0xa2: {  	s5 =	simm.s32 $0x9B80;
	[sflag:s30] =	ssyncadd.s32 $0xFFFFE000  }
0xa3: {  	[spmem:s2] =	stream.indirect.scatter.add.f32 [tilespmem:s22], [sflag:$0xB], $0x40, s5, s14, $0xb8;
	[tilespmem:$0x1FD00] =	vst v63  }
0xa4: {  	_ =	swait.ge [sflag:s31], $0x2000  }
0xa5: {  	[sflag:s31] =	ssyncset.done $0x0  }
0xa6: {  	s6 =	simm.s32 $0x9C00;
	[sflag:s31] =	ssyncadd.s32 $0xFFFFE000  }
0xa7: {  	[spmem:s2] =	stream.indirect.scatter.add.f32 [tilespmem:s24], [sflag:$0xC], $0x40, s6, s14, $0xb8;
	[tilespmem:$0x1FD00] =	vst v63  }
0xa8: {  	_ =	swait.ge [sflag:s0], $0x2000  }
0xa9: {  	[sflag:s0] =	ssyncset.done $0x0  }
0xaa: {  	[sflag:s0] =	ssyncadd.s32 $0xFFFFE000  }
0xab: {  	_ =	swait.ge [sflag:s1], $0x2000  }
0xac: {  	[sflag:s1] =	ssyncset.done $0x0  }
0xad: {  	[sflag:s1] =	ssyncadd.s32 $0xFFFFE000  }
0xae: {  	_ =	swait.ge [sflag:s11], $0x2000  }
0xaf: {  	[sflag:s11] =	ssyncset.done $0x0  }
0xb0: {  	[sflag:s11] =	ssyncadd.s32 $0xFFFFE000  }
0xb1: {  	_ =	swait.ge [sflag:s17], $0x2000  }
0xb2: {  	[sflag:s17] =	ssyncset.done $0x0  }
0xb3: {  	[sflag:s17] =	ssyncadd.s32 $0xFFFFE000  }
0xb4: {  	_ =	swait.ge [sflag:s19], $0x2000  }
0xb5: {  	[sflag:s19] =	ssyncset.done $0x0  }
0xb6: {  	[sflag:s19] =	ssyncadd.s32 $0xFFFFE000  }
0xb7: {  	_ =	swait.ge [sflag:s21], $0x2000  }
0xb8: {  	[sflag:s21] =	ssyncset.done $0x0  }
0xb9: {  	s5 =	simm.s32 $0x4E00;
	[sflag:s21] =	ssyncadd.s32 $0xFFFFE000  }
0xba: {  	[tilespmem:s15], [sflag:$0x1] =	stream.indirect.gather [hbm4b:s7+s14], $0x40, s5, s14, $0xb8;
	[tilespmem:$0x1FD00] =	vst v63  }
0xbb: {  	_ =	swait.ge [sflag:s25], $0x2000  }
0xbc: {  	[sflag:s25] =	ssyncset.done $0x0  }
0xbd: {  	s6 =	simm.s32 $0x9C80;
	[sflag:s25] =	ssyncadd.s32 $0xFFFFE000  }
0xbe: {  	[spmem:s2] =	stream.indirect.scatter.add.f32 [tilespmem:s15], [sflag:$0x7], $0x40, s6, s14, $0xb8;
	[tilespmem:$0x1FD00] =	vst v63  }
0xbf: {  	_ =	swait.ge [sflag:s0], $0x2000  }
0xc0: {  	s23 =	sadd.s32 $0x1, s23;
	[sflag:s0] =	ssyncset.done $0x0  }
0xc1: {  	p0 =	sne.s32 s23, s9;
	[sflag:s0] =	ssyncadd.s32 $0xFFFFE000  }
.Ltmp1:
0xc2: {  	[bflag:$0x0] =	sbarrier.arrive $0xFFFF;
	(pc) =	sbr.rel @p0 .LBB2_1-.Ltmp1, $4  }
0xc3: {  	[hbm:s8], [sflag:s12] =	dma.local [spmem:s13], $0x1400  }
0xc4: {  	_ =	swait.ge [sflag:s10], $0x1400  }
0xc5: {  	[sflag:s10] =	ssyncset.done $0x0  }
0xc6: {  	[sflag:s10] =	ssyncadd.s32 $0xFFFFEC00  }
0xc7: {  	_ =	sfence.sel $0x180000  }
0xc8: {  	[bflag:$0x0] =	sbarrier.arrive $0xFFFF  }
0xc9: {  	_ =	strace $0x9000004A  }
0xca: {  	s0 =	stileid.u32;
	[bflag:$0x2] =	sbarrier.arrive $0xFFFF  }
0xcb: {  	p0 =	sne.s32 s0, $0x0;
	s0 =	rddreg [dreg:$0x3]  }
0xcc: {  	s0 =	sadd.s32 @!p0 $0x100000, s0  }
0xcd: {  	[sflag:s0] =	ssyncadd.tile.s32 @!p0 $0x1;
	_ =	shalt  }
.Lfunc_end2:
_tile_overlayer_lowered:
.L_overlay_start_2:
0xce: {  	(tag) =	ssettag $0x2  }
0xcf: {  	s0 =	rddreg [dreg:$0x0];
	s2 =	stileid.u32  }
0xd0: {  	s1 =	rddreg [dreg:$0x1];
	p0 =	sne.s32 s2, $0x0  }
0xd1: {  	s3 =	rddreg [dreg:$0x2];
	[bflag:$0x3] =	sbarrier.arrive $0xFFFF;
	s2 =	simm.s32 @!p0 $0x1C0D  }
0xd2: {  	[timem:s3], [sflag:s2] =	dma.local @!p0 [hbm:s0], s1  }
0xd3: {  	s0 =	simm.s32 @!p0 $0xD  }
0xd4: {  	_ =	swait.ge @!p0 [sflag:s0], s1  }
0xd5: {  	s1 =	ssub.s32 @!p0 $0x0, s1;
	[sflag:s0] =	ssyncset.done @!p0 $0x0  }
0xd6: {  	[sflag:s0] =	ssyncadd.s32 @!p0 s1  }
0xd7: {  	[bflag:$0x3] =	sbarrier.arrive $0xFFFF  }
0xd8: {  	_ =	shalt  }

</sc_bundles>
